<compile_context>
chip_gen: v7x
topology: tpu7x:2x2x1
jax: 0.10.2.dev20260603
libtpu: 0.0.44.dev20260713+nightly
codegen_flags: <defaults>
</compile_context>

<pallas_src>
import jax
import jax.numpy as jnp
from jax import lax
from jax.experimental import pallas as pl
from jax.experimental.pallas import tpu as pltpu
from jax.experimental.pallas import tpu_sc as plsc

_K = 100
_NUM_FIELDS = 26
_VOCAB = 100000
_EMB_DIM = 16
_BATCH = 16384
_IN_DIM = _NUM_FIELDS * _EMB_DIM
_H1 = 128
_H2 = 64

_NW = 32
_NP = _BATCH * _NUM_FIELDS // _NW
_GCH = 128
_NGC = _NP // _GCH
_FIRE = 8
_NGRP = _NGC // _FIRE
_GRP_ROWS = _GCH * _FIRE

_BT = 1024


def _sc_gather_body(table_hbm, x_hbm, out_hbm, x_v, idx_v, rows_v, gsem):
    wid = lax.axis_index("s") * 2 + lax.axis_index("c")
    base = wid * _NP
    pltpu.sync_copy(x_hbm.at[pl.ds(base, _NP)], x_v)
    lane = lax.iota(jnp.int32, 16)

    def idx_body(j, c):
        f = (j * 16 + lane) % _NUM_FIELDS
        idx_v[j // 8, pl.ds((j % 8) * 16, 16)] = x_v[pl.ds(j * 16, 16)] + f * _VPAD
        return c

    lax.fori_loop(0, _NP // 16, idx_body, 0)

    def grp_body(g, c):
        copies = []
        for b in range(_FIRE):
            copies.append(pltpu.async_copy(
                table_hbm.at[idx_v.at[g * _FIRE + b]],
                rows_v.at[pl.ds(b * _GCH, _GCH)],
                gsem))
        for cp in copies:
            cp.wait()
        pltpu.sync_copy(rows_v, out_hbm.at[pl.ds(base + g * _GRP_ROWS, _GRP_ROWS)])
        return c

    lax.fori_loop(0, _NGRP, grp_body, 0)


def _sc_gather(table_flat, x_flat):
    mesh = plsc.VectorSubcoreMesh(core_axis_name="c", subcore_axis_name="s")
    kfn = pl.kernel(
        _sc_gather_body,
        mesh=mesh,
        out_type=jax.ShapeDtypeStruct((_BATCH * _NUM_FIELDS, _EMB_DIM), jnp.float32),
        scratch_types=[
            pltpu.VMEM((_NP,), jnp.int32),
            pltpu.VMEM((_NGC, _GCH), jnp.int32),
            pltpu.VMEM((_GRP_ROWS, _EMB_DIM), jnp.float32),
            pltpu.SemaphoreType.DMA,
        ],
        compiler_params=pltpu.CompilerParams(use_tc_tiling_on_sc=False),
    )
    return kfn(table_flat, x_flat)


def _mlp_body(emb_ref, y_ref, ar_ref, p_ref, w1_ref, b1_ref, w2_ref, b2_ref,
              w3_ref, b3_ref, o_ref):
    e = emb_ref[...]
    h = jnp.maximum(
        jnp.dot(e, w1_ref[...], preferred_element_type=jnp.float32) + b1_ref[...], 0.0)
    h = jnp.maximum(
        jnp.dot(h, w2_ref[...], preferred_element_type=jnp.float32) + b2_ref[...], 0.0)
    net = jnp.dot(h, w3_ref[...], preferred_element_type=jnp.float32) + b3_ref[...]

    ar = ar_ref[...]
    pr = p_ref[...]
    lo = ar[0, 0]
    hi = ar[0, _K - 1]
    yb = jnp.clip(y_ref[...], lo, hi)
    k = jnp.sum((ar <= yb).astype(jnp.int32), axis=1, keepdims=True) - 1
    kp1 = jnp.minimum(k + 1, _K - 1)
    iot = lax.broadcasted_iota(jnp.int32, (_BT, _K), 1)
    b_k = jnp.sum(jnp.where(iot == k, pr, 0.0), axis=1, keepdims=True)
    b_k1 = jnp.sum(jnp.where(iot == kp1, pr, 0.0), axis=1, keepdims=True)
    a_k = jnp.sum(jnp.where(iot == k, ar, 0.0), axis=1, keepdims=True)
    a_k1 = jnp.sum(jnp.where(iot == kp1, ar, 0.0), axis=1, keepdims=True)
    o_ref[...] = b_k + (yb - a_k) * (b_k1 - b_k) / (a_k1 - a_k + 0.0001) + net


def _mlp_call(emb, y, ar, p, W1, b1, W2, b2, W3, b3):
    return pl.pallas_call(
        _mlp_body,
        grid=(_BATCH // _BT,),
        in_specs=[
            pl.BlockSpec((_BT, _IN_DIM), lambda i: (i, 0)),
            pl.BlockSpec((_BT, 1), lambda i: (i, 0)),
            pl.BlockSpec((1, _K), lambda i: (0, 0)),
            pl.BlockSpec((1, _K), lambda i: (0, 0)),
            pl.BlockSpec((_IN_DIM, _H1), lambda i: (0, 0)),
            pl.BlockSpec((1, _H1), lambda i: (0, 0)),
            pl.BlockSpec((_H1, _H2), lambda i: (0, 0)),
            pl.BlockSpec((1, _H2), lambda i: (0, 0)),
            pl.BlockSpec((_H2, 1), lambda i: (0, 0)),
            pl.BlockSpec((1, 1), lambda i: (0, 0)),
        ],
        out_specs=pl.BlockSpec((_BT, 1), lambda i: (i, 0)),
        out_shape=jax.ShapeDtypeStruct((_BATCH, 1), jnp.float32),
    )(emb, y, ar, p, W1, b1.reshape(1, _H1), W2, b2.reshape(1, _H2), W3,
      b3.reshape(1, 1))


_VC = 512
_NCH = 196
_LAST_START = 99584
_LAST_LINES = 56
_LPF = 12504
_VPAD = _LPF * 8


def _tr_sc_body(tab_ref, out_ref, cin, cout):
    s = lax.axis_index("c")
    t = lax.axis_index("s")
    lane = lax.iota(jnp.int32, 16)
    lane16 = lane * 16

    def field_body(fi, carry):
        f = s + 2 * fi

        def chunk_body(ci, carry2):
            c = t + 16 * ci

            @pl.when(c < _NCH)
            def _():
                start = pl.multiple_of(
                    jnp.where(c == _NCH - 1, _LAST_START, c * _VC), 128)
                pltpu.sync_copy(
                    tab_ref.at[pl.ds(pl.multiple_of(f * _EMB_DIM, 8),
                                     _EMB_DIM),
                               pl.ds(start, _VC)],
                    cin)

                def v_body(v16, carry3):
                    msk = (start + v16 * 16 + lane) < _VOCAB
                    base = v16 * 256
                    for d in range(_EMB_DIM):
                        cv = cin[d, pl.ds(v16 * 16, 16)]
                        plsc.store_scatter(cout, [lane16 + (base + d)],
                                           cv, mask=msk)
                    return carry3

                lax.fori_loop(0, _VC // 16, v_body, 0)
                word0 = pl.multiple_of((f * _LPF + start // 8) * 128, 1024)

                @pl.when(c < _NCH - 1)
                def _full():
                    pltpu.sync_copy(cout, out_ref.at[pl.ds(word0, _VC * 16)])

                @pl.when(c == _NCH - 1)
                def _tail():
                    pltpu.sync_copy(
                        cout.at[pl.ds(0, _LAST_LINES * 128)],
                        out_ref.at[pl.ds(word0, _LAST_LINES * 128)])
            return carry2

        lax.fori_loop(0, (_NCH + 15) // 16, chunk_body, 0)
        return carry

    lax.fori_loop(0, _NUM_FIELDS // 2, field_body, 0)


def _sc_transpose(table_t3):
    mesh = plsc.VectorSubcoreMesh(core_axis_name="c", subcore_axis_name="s")
    kfn = pl.kernel(
        _tr_sc_body,
        mesh=mesh,
        out_type=jax.ShapeDtypeStruct(
            (_NUM_FIELDS * _LPF * 128,), jnp.float32),
        scratch_types=[
            pltpu.VMEM((_EMB_DIM, _VC), jnp.float32),
            pltpu.VMEM((_VC * 16,), jnp.float32),
        ],
        compiler_params=pltpu.CompilerParams(use_tc_tiling_on_sc=True,
                                             needs_layout_passes=False),
    )
    return kfn(table_t3)


def kernel(x, y, emb_tables, p, W1, b1, W2, b2, W3, b3):
    table128 = _sc_transpose(
        jnp.transpose(emb_tables, (0, 2, 1)).reshape(
            _NUM_FIELDS * _EMB_DIM, _VOCAB))
    table_flat = table128.reshape(_NUM_FIELDS * _VPAD, _EMB_DIM)
    x_flat = x.reshape(-1)
    rows = _sc_gather(table_flat, x_flat)
    emb = rows.reshape(_BATCH, _IN_DIM)
    c = (1.0 + jnp.arange(_K, dtype=jnp.float32)) / (1.0 + _K)
    ar = jnp.log(c / (1.0 - c)).reshape(1, _K)
    return _mlp_call(emb, y, ar, p.reshape(1, _K), W1, b1, W2, b2, W3, b3)

# --- scband reference (transcript-rebuilt; emitter-appended) ---
"""Pipeline reference for scband-neural-calib-31035433681081 (READ-ONLY COPY).

The authoritative reference and input builder live on the scoring server;
editing this copy changes nothing except your own understanding.
"""

import jax, jax.numpy as jnp
import numpy as np

K = 100
NUM_FIELDS = 26
VOCAB = 100000
EMB_DIM = 16
BATCH = 16384
IN_DIM = NUM_FIELDS * EMB_DIM
H1 = 128
H2 = 64


def _logit(x):
    return jnp.log(x / (1.0 - x))


def _xavier(key, shape):
    gain = np.sqrt(2.0)  # relu gain
    std = gain * np.sqrt(2.0 / (shape[0] + shape[1]))
    return jax.random.normal(key, shape, dtype=jnp.float32) * std


def setup_inputs(seed: int = 0) -> dict:
    key = jax.random.key(seed)
    ks = jax.random.split(key, 8)
    x = jax.random.randint(ks[0], (BATCH, NUM_FIELDS), 0, VOCAB, dtype=jnp.int32)
    y = jax.random.normal(ks[1], (BATCH, 1), dtype=jnp.float32)
    emb_tables = jax.random.normal(ks[2], (NUM_FIELDS, VOCAB, EMB_DIM), dtype=jnp.float32) * 0.05
    p = _logit((1.0 + jnp.arange(K, dtype=jnp.float32)).reshape(1, K) / (1.0 + K))
    W1 = _xavier(ks[3], (IN_DIM, H1)); b1 = jnp.zeros((H1,), jnp.float32)
    W2 = _xavier(ks[4], (H1, H2)); b2 = jnp.zeros((H2,), jnp.float32)
    W3 = _xavier(ks[5], (H2, 1)); b3 = jnp.zeros((1,), jnp.float32)
    return {"x": x, "y": y, "emb_tables": emb_tables, "p": p,
            "W1": W1, "b1": b1, "W2": W2, "b2": b2, "W3": W3, "b3": b3}


def reference(x, y, emb_tables, p, W1, b1, W2, b2, W3, b3):
    # sparse embedding lookups per field, concat along feature dim
    embs = [emb_tables[f][x[:, f]] for f in range(NUM_FIELDS)]  # each [B, EMB_DIM]
    s_embedding = jnp.concatenate(embs, axis=1)  # [B, IN_DIM]
    input_all = jax.lax.stop_gradient(s_embedding)  # .detach()
    y = jax.lax.stop_gradient(y)  # .detach()

    low = _logit(jnp.asarray(1.0 / (1.0 + K), jnp.float32))
    high = _logit(jnp.asarray(K / (1.0 + K), jnp.float32))
    y = jnp.clip(y, low, high)

    a_row = _logit((1.0 + jnp.arange(K, dtype=jnp.float32)) / (1.0 + K))  # [K]
    k = jnp.searchsorted(a_row, y.reshape(-1), side='right') - 1  # [B]
    kp1 = jnp.minimum(k + 1, K - 1)

    pr = p.reshape(-1)
    b_k = pr[k][:, None]
    b_kp1 = pr[kp1][:, None]
    a_k = a_row[k][:, None]
    a_kp1 = a_row[kp1][:, None]

    h = jnp.maximum(input_all @ W1 + b1, 0.0)
    h = jnp.maximum(h @ W2 + b2, 0.0)
    net_out = h @ W3 + b3  # [B, 1]

    final_result = b_k + (y - a_k) * (b_kp1 - b_k) / (a_kp1 - a_k + 0.0001) + net_out
    return final_result

if __name__ == "__main__":
    import jax
    _d = setup_inputs()
    print(jax.jit(kernel)(*tuple(_d.values())))

</pallas_src>

<mosaic_0001>
#map = affine_map<(d0, d1) -> (0, 0)>
#map1 = affine_map<(d0, d1) -> (0)>
module attributes {stable_mosaic.version = 14 : i64} {
  func.func @_tr_sc_body(%arg0: i32, %arg1: i32, %arg2: memref<416x100000xf32, #tpu.memory_space<hbm>>, %arg3: memref<41613312xf32, #tpu.memory_space<hbm>>, %arg4: memref<16x512xf32, #tpu.memory_space<vmem>>, %arg5: memref<8192xf32, #tpu.memory_space<vmem>>) attributes {dimension_semantics = [#tpu.dimension_semantics<core_parallel>, #tpu.dimension_semantics<subcore_parallel>], iteration_bounds = array<i64: 2, 16>, scalar_prefetch = 0 : i64, scratch_operands = 2 : i64, tpu.core_type = #tpu.core_type<sc_vector_subcore>, window_params = [{transform_indices = #map}, {transform_indices = #map1}]} {
    %iota3A = tpu.iota {dimensions = array<i32: 0>} : vector<16xi32>
    %mul3A = arith.constant 16 : i32
    %mul3A_0 = vector.broadcast %mul3A : i32 to vector<16xi32>
    %mul3A_1 = arith.muli %iota3A, %mul3A_0 : vector<16xi32>
    %scan3A = arith.constant 0 : i32
    %scan3A_2 = arith.constant 0 : i32
    %scan3A_3 = arith.constant 13 : i32
    %scan3A_4 = arith.addi %scan3A_2, %scan3A_3 : i32
    %scan3A_5 = arith.constant 1 : i32
    scf.for %scan3A_7 = %scan3A_2 to %scan3A_4 step %scan3A_5  : i32 {
      %mul3A_8 = arith.constant 2 : i32
      %mul3A_9 = arith.muli %mul3A_8, %scan3A_7 : i32
      %add3A = arith.addi %arg0, %mul3A_9 : i32
      %scan3A_10 = arith.constant 0 : i32
      %scan3A_11 = arith.constant 0 : i32
      %scan3A_12 = arith.constant 13 : i32
      %scan3A_13 = arith.addi %scan3A_11, %scan3A_12 : i32
      %scan3A_14 = arith.constant 1 : i32
      scf.for %scan3A_16 = %scan3A_11 to %scan3A_13 step %scan3A_14  : i32 {
        %mul3A_17 = arith.constant 16 : i32
        %mul3A_18 = arith.muli %mul3A_17, %scan3A_16 : i32
        %add3A_19 = arith.addi %arg1, %mul3A_18 : i32
        %lt3A = arith.constant 196 : i32
        %lt3A_20 = arith.cmpi slt, %add3A_19, %lt3A : i32
        %convert_element_type3A = arith.extui %lt3A_20 : i1 to i32
        %cond3A = arith.constant 0 : i32
        %cond3A_21 = arith.cmpi ne, %convert_element_type3A, %cond3A : i32
        scf.if %cond3A_21 {
          %eq3A = arith.constant 195 : i32
          %eq3A_22 = arith.cmpi eq, %add3A_19, %eq3A : i32
          %mul3A_23 = arith.constant 512 : i32
          %mul3A_24 = arith.muli %add3A_19, %mul3A_23 : i32
          %jit3A = arith.constant 99584 : i32
          %select_n3A = arith.select %eq3A_22, %jit3A, %mul3A_24 : i32
          %multiple_of3A = tpu.assume_multiple %select_n3A, 128 : i32
          %mul3A_25 = arith.constant 16 : i32
          %mul3A_26 = arith.muli %add3A, %mul3A_25 : i32
          %multiple_of3A_27 = tpu.assume_multiple %mul3A_26, 8 : i32
          "tpu.region"() ({
            %run_scoped3A = tpu.sem_alloc : memref<!tpu.dma_semaphore, #tpu.memory_space<semaphore_mem>>
            %dma_start3A = tpu.memref_slice %arg2[%multiple_of3A_27, %multiple_of3A] : memref<416x100000xf32, #tpu.memory_space<hbm>> -> memref<16x512xf32, #tpu.memory_space<hbm>>
            %dma_start3A_68 = tpu.memref_slice %arg2[%multiple_of3A_27, %multiple_of3A] : memref<416x100000xf32, #tpu.memory_space<hbm>> -> memref<16x512xf32, #tpu.memory_space<hbm>>
            tpu.enqueue_dma source(%dma_start3A_68 : memref<16x512xf32, #tpu.memory_space<hbm>>) target(%arg4 : memref<16x512xf32, #tpu.memory_space<vmem>>) target_semaphore(%run_scoped3A : memref<!tpu.dma_semaphore, #tpu.memory_space<semaphore_mem>>)
            %dma_wait3A = tpu.memref_slice %arg2[%multiple_of3A_27, %multiple_of3A] : memref<416x100000xf32, #tpu.memory_space<hbm>> -> memref<16x512xf32, #tpu.memory_space<hbm>>
            %dma_wait3A_69 = tpu.memref_slice %arg2[%multiple_of3A_27, %multiple_of3A] : memref<416x100000xf32, #tpu.memory_space<hbm>> -> memref<16x512xf32, #tpu.memory_space<hbm>>
            tpu.wait_dma2 semaphore(%run_scoped3A : memref<!tpu.dma_semaphore, #tpu.memory_space<semaphore_mem>>) src(%dma_wait3A_69 : memref<16x512xf32, #tpu.memory_space<hbm>>) dst(%arg4 : memref<16x512xf32, #tpu.memory_space<vmem>>)
            tpu.yield
          }) : () -> ()
          %scan3A_28 = arith.constant 0 : i32
          %scan3A_29 = arith.constant 0 : i32
          %scan3A_30 = arith.constant 32 : i32
          %scan3A_31 = arith.addi %scan3A_29, %scan3A_30 : i32
          %scan3A_32 = arith.constant 1 : i32
          scf.for %scan3A_68 = %scan3A_29 to %scan3A_31 step %scan3A_32  : i32 {
            %mul3A_69 = arith.constant 16 : i32
            %mul3A_70 = arith.muli %scan3A_68, %mul3A_69 : i32
            %add3A_71 = arith.addi %multiple_of3A, %mul3A_70 : i32
            %add3A_72 = vector.broadcast %add3A_71 : i32 to vector<16xi32>
            %add3A_73 = arith.addi %add3A_72, %iota3A : vector<16xi32>
            %lt3A_74 = arith.constant 100000 : i32
            %lt3A_75 = vector.broadcast %lt3A_74 : i32 to vector<16xi32>
            %lt3A_76 = arith.cmpi slt, %add3A_73, %lt3A_75 : vector<16xi32>
            %mul3A_77 = arith.constant 256 : i32
            %mul3A_78 = arith.muli %scan3A_68, %mul3A_77 : i32
            %mul3A_79 = arith.constant 16 : i32
            %mul3A_80 = arith.muli %scan3A_68, %mul3A_79 : i32
            %get3A = arith.constant 0 : i32
            %get3A_81 = arith.index_cast %get3A : i32 to index
            %get3A_82 = arith.index_cast %mul3A_80 : i32 to index
            %get3A_83 = tpu.vector_load %arg4[%get3A_81, %get3A_82] {strides = array<i32>} : memref<16x512xf32, #tpu.memory_space<vmem>>, vector<16xf32>,
            %add3A_84 = arith.constant 0 : i32
            %add3A_85 = arith.addi %mul3A_78, %add3A_84 : i32
            %add3A_86 = vector.broadcast %add3A_85 : i32 to vector<16xi32>
            %add3A_87 = arith.addi %mul3A_1, %add3A_86 : vector<16xi32>
            tpu.vector_store_idx %arg5[%add3A_87], %get3A_83 masked %lt3A_76 : memref<8192xf32, #tpu.memory_space<vmem>>[vector<16xi32>], vector<16xf32>, vector<16xi1>
            %mul3A_88 = arith.constant 16 : i32
            %mul3A_89 = arith.muli %scan3A_68, %mul3A_88 : i32
            %get3A_90 = arith.constant 1 : i32
            %get3A_91 = arith.index_cast %get3A_90 : i32 to index
            %get3A_92 = arith.index_cast %mul3A_89 : i32 to index
            %get3A_93 = tpu.vector_load %arg4[%get3A_91, %get3A_92] {strides = array<i32>} : memref<16x512xf32, #tpu.memory_space<vmem>>, vector<16xf32>,
            %add3A_94 = arith.constant 1 : i32
            %add3A_95 = arith.addi %mul3A_78, %add3A_94 : i32
            %add3A_96 = vector.broadcast %add3A_95 : i32 to vector<16xi32>
            %add3A_97 = arith.addi %mul3A_1, %add3A_96 : vector<16xi32>
            tpu.vector_store_idx %arg5[%add3A_97], %get3A_93 masked %lt3A_76 : memref<8192xf32, #tpu.memory_space<vmem>>[vector<16xi32>], vector<16xf32>, vector<16xi1>
            %mul3A_98 = arith.constant 16 : i32
            %mul3A_99 = arith.muli %scan3A_68, %mul3A_98 : i32
            %get3A_100 = arith.constant 2 : i32
            %get3A_101 = arith.index_cast %get3A_100 : i32 to index
            %get3A_102 = arith.index_cast %mul3A_99 : i32 to index
            %get3A_103 = tpu.vector_load %arg4[%get3A_101, %get3A_102] {strides = array<i32>} : memref<16x512xf32, #tpu.memory_space<vmem>>, vector<16xf32>,
            %add3A_104 = arith.constant 2 : i32
            %add3A_105 = arith.addi %mul3A_78, %add3A_104 : i32
            %add3A_106 = vector.broadcast %add3A_105 : i32 to vector<16xi32>
            %add3A_107 = arith.addi %mul3A_1, %add3A_106 : vector<16xi32>
            tpu.vector_store_idx %arg5[%add3A_107], %get3A_103 masked %lt3A_76 : memref<8192xf32, #tpu.memory_space<vmem>>[vector<16xi32>], vector<16xf32>, vector<16xi1>
            %mul3A_108 = arith.constant 16 : i32
            %mul3A_109 = arith.muli %scan3A_68, %mul3A_108 : i32
            %get3A_110 = arith.constant 3 : i32
            %get3A_111 = arith.index_cast %get3A_110 : i32 to index
            %get3A_112 = arith.index_cast %mul3A_109 : i32 to index
            %get3A_113 = tpu.vector_load %arg4[%get3A_111, %get3A_112] {strides = array<i32>} : memref<16x512xf32, #tpu.memory_space<vmem>>, vector<16xf32>,
            %add3A_114 = arith.constant 3 : i32
            %add3A_115 = arith.addi %mul3A_78, %add3A_114 : i32
            %add3A_116 = vector.broadcast %add3A_115 : i32 to vector<16xi32>
            %add3A_117 = arith.addi %mul3A_1, %add3A_116 : vector<16xi32>
            tpu.vector_store_idx %arg5[%add3A_117], %get3A_113 masked %lt3A_76 : memref<8192xf32, #tpu.memory_space<vmem>>[vector<16xi32>], vector<16xf32>, vector<16xi1>
            %mul3A_118 = arith.constant 16 : i32
            %mul3A_119 = arith.muli %scan3A_68, %mul3A_118 : i32
            %get3A_120 = arith.constant 4 : i32
            %get3A_121 = arith.index_cast %get3A_120 : i32 to index
            %get3A_122 = arith.index_cast %mul3A_119 : i32 to index
            %get3A_123 = tpu.vector_load %arg4[%get3A_121, %get3A_122] {strides = array<i32>} : memref<16x512xf32, #tpu.memory_space<vmem>>, vector<16xf32>,
            %add3A_124 = arith.constant 4 : i32
            %add3A_125 = arith.addi %mul3A_78, %add3A_124 : i32
            %add3A_126 = vector.broadcast %add3A_125 : i32 to vector<16xi32>
            %add3A_127 = arith.addi %mul3A_1, %add3A_126 : vector<16xi32>
            tpu.vector_store_idx %arg5[%add3A_127], %get3A_123 masked %lt3A_76 : memref<8192xf32, #tpu.memory_space<vmem>>[vector<16xi32>], vector<16xf32>, vector<16xi1>
            %mul3A_128 = arith.constant 16 : i32
            %mul3A_129 = arith.muli %scan3A_68, %mul3A_128 : i32
            %get3A_130 = arith.constant 5 : i32
            %get3A_131 = arith.index_cast %get3A_130 : i32 to index
            %get3A_132 = arith.index_cast %mul3A_129 : i32 to index
            %get3A_133 = tpu.vector_load %arg4[%get3A_131, %get3A_132] {strides = array<i32>} : memref<16x512xf32, #tpu.memory_space<vmem>>, vector<16xf32>,
            %add3A_134 = arith.constant 5 : i32
            %add3A_135 = arith.addi %mul3A_78, %add3A_134 : i32
            %add3A_136 = vector.broadcast %add3A_135 : i32 to vector<16xi32>
            %add3A_137 = arith.addi %mul3A_1, %add3A_136 : vector<16xi32>
            tpu.vector_store_idx %arg5[%add3A_137], %get3A_133 masked %lt3A_76 : memref<8192xf32, #tpu.memory_space<vmem>>[vector<16xi32>], vector<16xf32>, vector<16xi1>
            %mul3A_138 = arith.constant 16 : i32
            %mul3A_139 = arith.muli %scan3A_68, %mul3A_138 : i32
            %get3A_140 = arith.constant 6 : i32
            %get3A_141 = arith.index_cast %get3A_140 : i32 to index
            %get3A_142 = arith.index_cast %mul3A_139 : i32 to index
            %get3A_143 = tpu.vector_load %arg4[%get3A_141, %get3A_142] {strides = array<i32>} : memref<16x512xf32, #tpu.memory_space<vmem>>, vector<16xf32>,
            %add3A_144 = arith.constant 6 : i32
            %add3A_145 = arith.addi %mul3A_78, %add3A_144 : i32
            %add3A_146 = vector.broadcast %add3A_145 : i32 to vector<16xi32>
            %add3A_147 = arith.addi %mul3A_1, %add3A_146 : vector<16xi32>
            tpu.vector_store_idx %arg5[%add3A_147], %get3A_143 masked %lt3A_76 : memref<8192xf32, #tpu.memory_space<vmem>>[vector<16xi32>], vector<16xf32>, vector<16xi1>
            %mul3A_148 = arith.constant 16 : i32
            %mul3A_149 = arith.muli %scan3A_68, %mul3A_148 : i32
            %get3A_150 = arith.constant 7 : i32
            %get3A_151 = arith.index_cast %get3A_150 : i32 to index
            %get3A_152 = arith.index_cast %mul3A_149 : i32 to index
            %get3A_153 = tpu.vector_load %arg4[%get3A_151, %get3A_152] {strides = array<i32>} : memref<16x512xf32, #tpu.memory_space<vmem>>, vector<16xf32>,
            %add3A_154 = arith.constant 7 : i32
            %add3A_155 = arith.addi %mul3A_78, %add3A_154 : i32
            %add3A_156 = vector.broadcast %add3A_155 : i32 to vector<16xi32>
            %add3A_157 = arith.addi %mul3A_1, %add3A_156 : vector<16xi32>
            tpu.vector_store_idx %arg5[%add3A_157], %get3A_153 masked %lt3A_76 : memref<8192xf32, #tpu.memory_space<vmem>>[vector<16xi32>], vector<16xf32>, vector<16xi1>
            %mul3A_158 = arith.constant 16 : i32
            %mul3A_159 = arith.muli %scan3A_68, %mul3A_158 : i32
            %get3A_160 = arith.constant 8 : i32
            %get3A_161 = arith.index_cast %get3A_160 : i32 to index
            %get3A_162 = arith.index_cast %mul3A_159 : i32 to index
            %get3A_163 = tpu.vector_load %arg4[%get3A_161, %get3A_162] {strides = array<i32>} : memref<16x512xf32, #tpu.memory_space<vmem>>, vector<16xf32>,
            %add3A_164 = arith.constant 8 : i32
            %add3A_165 = arith.addi %mul3A_78, %add3A_164 : i32
            %add3A_166 = vector.broadcast %add3A_165 : i32 to vector<16xi32>
            %add3A_167 = arith.addi %mul3A_1, %add3A_166 : vector<16xi32>
            tpu.vector_store_idx %arg5[%add3A_167], %get3A_163 masked %lt3A_76 : memref<8192xf32, #tpu.memory_space<vmem>>[vector<16xi32>], vector<16xf32>, vector<16xi1>
            %mul3A_168 = arith.constant 16 : i32
            %mul3A_169 = arith.muli %scan3A_68, %mul3A_168 : i32
            %get3A_170 = arith.constant 9 : i32
            %get3A_171 = arith.index_cast %get3A_170 : i32 to index
            %get3A_172 = arith.index_cast %mul3A_169 : i32 to index
            %get3A_173 = tpu.vector_load %arg4[%get3A_171, %get3A_172] {strides = array<i32>} : memref<16x512xf32, #tpu.memory_space<vmem>>, vector<16xf32>,
            %add3A_174 = arith.constant 9 : i32
            %add3A_175 = arith.addi %mul3A_78, %add3A_174 : i32
            %add3A_176 = vector.broadcast %add3A_175 : i32 to vector<16xi32>
            %add3A_177 = arith.addi %mul3A_1, %add3A_176 : vector<16xi32>
            tpu.vector_store_idx %arg5[%add3A_177], %get3A_173 masked %lt3A_76 : memref<8192xf32, #tpu.memory_space<vmem>>[vector<16xi32>], vector<16xf32>, vector<16xi1>
            %mul3A_178 = arith.constant 16 : i32
            %mul3A_179 = arith.muli %scan3A_68, %mul3A_178 : i32
            %get3A_180 = arith.constant 10 : i32
            %get3A_181 = arith.index_cast %get3A_180 : i32 to index
            %get3A_182 = arith.index_cast %mul3A_179 : i32 to index
            %get3A_183 = tpu.vector_load %arg4[%get3A_181, %get3A_182] {strides = array<i32>} : memref<16x512xf32, #tpu.memory_space<vmem>>, vector<16xf32>,
            %add3A_184 = arith.constant 10 : i32
            %add3A_185 = arith.addi %mul3A_78, %add3A_184 : i32
            %add3A_186 = vector.broadcast %add3A_185 : i32 to vector<16xi32>
            %add3A_187 = arith.addi %mul3A_1, %add3A_186 : vector<16xi32>
            tpu.vector_store_idx %arg5[%add3A_187], %get3A_183 masked %lt3A_76 : memref<8192xf32, #tpu.memory_space<vmem>>[vector<16xi32>], vector<16xf32>, vector<16xi1>
            %mul3A_188 = arith.constant 16 : i32
            %mul3A_189 = arith.muli %scan3A_68, %mul3A_188 : i32
            %get3A_190 = arith.constant 11 : i32
            %get3A_191 = arith.index_cast %get3A_190 : i32 to index
            %get3A_192 = arith.index_cast %mul3A_189 : i32 to index
            %get3A_193 = tpu.vector_load %arg4[%get3A_191, %get3A_192] {strides = array<i32>} : memref<16x512xf32, #tpu.memory_space<vmem>>, vector<16xf32>,
            %add3A_194 = arith.constant 11 : i32
            %add3A_195 = arith.addi %mul3A_78, %add3A_194 : i32
            %add3A_196 = vector.broadcast %add3A_195 : i32 to vector<16xi32>
            %add3A_197 = arith.addi %mul3A_1, %add3A_196 : vector<16xi32>
            tpu.vector_store_idx %arg5[%add3A_197], %get3A_193 masked %lt3A_76 : memref<8192xf32, #tpu.memory_space<vmem>>[vector<16xi32>], vector<16xf32>, vector<16xi1>
            %mul3A_198 = arith.constant 16 : i32
            %mul3A_199 = arith.muli %scan3A_68, %mul3A_198 : i32
            %get3A_200 = arith.constant 12 : i32
            %get3A_201 = arith.index_cast %get3A_200 : i32 to index
            %get3A_202 = arith.index_cast %mul3A_199 : i32 to index
            %get3A_203 = tpu.vector_load %arg4[%get3A_201, %get3A_202] {strides = array<i32>} : memref<16x512xf32, #tpu.memory_space<vmem>>, vector<16xf32>,
            %add3A_204 = arith.constant 12 : i32
            %add3A_205 = arith.addi %mul3A_78, %add3A_204 : i32
            %add3A_206 = vector.broadcast %add3A_205 : i32 to vector<16xi32>
            %add3A_207 = arith.addi %mul3A_1, %add3A_206 : vector<16xi32>
            tpu.vector_store_idx %arg5[%add3A_207], %get3A_203 masked %lt3A_76 : memref<8192xf32, #tpu.memory_space<vmem>>[vector<16xi32>], vector<16xf32>, vector<16xi1>
            %mul3A_208 = arith.constant 16 : i32
            %mul3A_209 = arith.muli %scan3A_68, %mul3A_208 : i32
            %get3A_210 = arith.constant 13 : i32
            %get3A_211 = arith.index_cast %get3A_210 : i32 to index
            %get3A_212 = arith.index_cast %mul3A_209 : i32 to index
            %get3A_213 = tpu.vector_load %arg4[%get3A_211, %get3A_212] {strides = array<i32>} : memref<16x512xf32, #tpu.memory_space<vmem>>, vector<16xf32>,
            %add3A_214 = arith.constant 13 : i32
            %add3A_215 = arith.addi %mul3A_78, %add3A_214 : i32
            %add3A_216 = vector.broadcast %add3A_215 : i32 to vector<16xi32>
            %add3A_217 = arith.addi %mul3A_1, %add3A_216 : vector<16xi32>
            tpu.vector_store_idx %arg5[%add3A_217], %get3A_213 masked %lt3A_76 : memref<8192xf32, #tpu.memory_space<vmem>>[vector<16xi32>], vector<16xf32>, vector<16xi1>
            %mul3A_218 = arith.constant 16 : i32
            %mul3A_219 = arith.muli %scan3A_68, %mul3A_218 : i32
            %get3A_220 = arith.constant 14 : i32
            %get3A_221 = arith.index_cast %get3A_220 : i32 to index
            %get3A_222 = arith.index_cast %mul3A_219 : i32 to index
            %get3A_223 = tpu.vector_load %arg4[%get3A_221, %get3A_222] {strides = array<i32>} : memref<16x512xf32, #tpu.memory_space<vmem>>, vector<16xf32>,
            %add3A_224 = arith.constant 14 : i32
            %add3A_225 = arith.addi %mul3A_78, %add3A_224 : i32
            %add3A_226 = vector.broadcast %add3A_225 : i32 to vector<16xi32>
            %add3A_227 = arith.addi %mul3A_1, %add3A_226 : vector<16xi32>
            tpu.vector_store_idx %arg5[%add3A_227], %get3A_223 masked %lt3A_76 : memref<8192xf32, #tpu.memory_space<vmem>>[vector<16xi32>], vector<16xf32>, vector<16xi1>
            %mul3A_228 = arith.constant 16 : i32
            %mul3A_229 = arith.muli %scan3A_68, %mul3A_228 : i32
            %get3A_230 = arith.constant 15 : i32
            %get3A_231 = arith.index_cast %get3A_230 : i32 to index
            %get3A_232 = arith.index_cast %mul3A_229 : i32 to index
            %get3A_233 = tpu.vector_load %arg4[%get3A_231, %get3A_232] {strides = array<i32>} : memref<16x512xf32, #tpu.memory_space<vmem>>, vector<16xf32>,
            %add3A_234 = arith.constant 15 : i32
            %add3A_235 = arith.addi %mul3A_78, %add3A_234 : i32
            %add3A_236 = vector.broadcast %add3A_235 : i32 to vector<16xi32>
            %add3A_237 = arith.addi %mul3A_1, %add3A_236 : vector<16xi32>
            tpu.vector_store_idx %arg5[%add3A_237], %get3A_233 masked %lt3A_76 : memref<8192xf32, #tpu.memory_space<vmem>>[vector<16xi32>], vector<16xf32>, vector<16xi1>
          }
          %scan3A_33 = arith.constant 32 : i32
          %mul3A_34 = arith.constant 12504 : i32
          %mul3A_35 = arith.muli %add3A, %mul3A_34 : i32
          %jit3A_36 = arith.constant 8 : i32
          %div3A = arith.divsi %multiple_of3A, %jit3A_36 : i32
          %sign3A = arith.constant 0 : i32
          %sign3A_37 = arith.cmpi sgt, %multiple_of3A, %sign3A : i32
          %sign3A_38 = arith.extui %sign3A_37 : i1 to i32
          %sign3A_39 = arith.constant 0 : i32
          %sign3A_40 = arith.cmpi slt, %multiple_of3A, %sign3A_39 : i32
          %sign3A_41 = arith.extui %sign3A_40 : i1 to i32
          %sign3A_42 = arith.subi %sign3A_38, %sign3A_41 : i32
          %sign3A_43 = arith.constant 0 : i32
          %sign3A_44 = arith.cmpi sgt, %jit3A_36, %sign3A_43 : i32
          %sign3A_45 = arith.extui %sign3A_44 : i1 to i32
          %sign3A_46 = arith.constant 0 : i32
          %sign3A_47 = arith.cmpi slt, %jit3A_36, %sign3A_46 : i32
          %sign3A_48 = arith.extui %sign3A_47 : i1 to i32
          %sign3A_49 = arith.subi %sign3A_45, %sign3A_48 : i32
          %ne3A = arith.cmpi ne, %sign3A_42, %sign3A_49 : i32
          %rem3A = arith.remsi %multiple_of3A, %jit3A_36 : i32
          %ne3A_50 = arith.constant 0 : i32
          %ne3A_51 = arith.cmpi ne, %rem3A, %ne3A_50 : i32
          %and3A = arith.andi %ne3A, %ne3A_51 : i1
          %sub3A = arith.constant 1 : i32
          %sub3A_52 = arith.subi %div3A, %sub3A : i32
          %select_n3A_53 = arith.select %and3A, %sub3A_52, %div3A : i32
          %add3A_54 = arith.addi %mul3A_35, %select_n3A_53 : i32
          %mul3A_55 = arith.constant 128 : i32
          %mul3A_56 = arith.muli %add3A_54, %mul3A_55 : i32
          %multiple_of3A_57 = tpu.assume_multiple %mul3A_56, 1024 : i32
          %lt3A_58 = arith.constant 195 : i32
          %lt3A_59 = arith.cmpi slt, %add3A_19, %lt3A_58 : i32
          %convert_element_type3A_60 = arith.extui %lt3A_59 : i1 to i32
          %cond3A_61 = arith.constant 0 : i32
          %cond3A_62 = arith.cmpi ne, %convert_element_type3A_60, %cond3A_61 : i32
          scf.if %cond3A_62 {
            "tpu.region"() ({
              %run_scoped3A = tpu.sem_alloc : memref<!tpu.dma_semaphore, #tpu.memory_space<semaphore_mem>>
              %dma_start3A = tpu.memref_slice %arg3[%multiple_of3A_57] : memref<41613312xf32, #tpu.memory_space<hbm>> -> memref<8192xf32, #tpu.memory_space<hbm>>
              %dma_start3A_68 = tpu.memref_slice %arg3[%multiple_of3A_57] : memref<41613312xf32, #tpu.memory_space<hbm>> -> memref<8192xf32, #tpu.memory_space<hbm>>
              tpu.enqueue_dma source(%arg5 : memref<8192xf32, #tpu.memory_space<vmem>>) target(%dma_start3A_68 : memref<8192xf32, #tpu.memory_space<hbm>>) target_semaphore(%run_scoped3A : memref<!tpu.dma_semaphore, #tpu.memory_space<semaphore_mem>>)
              %dma_wait3A = tpu.memref_slice %arg3[%multiple_of3A_57] : memref<41613312xf32, #tpu.memory_space<hbm>> -> memref<8192xf32, #tpu.memory_space<hbm>>
              %dma_wait3A_69 = tpu.memref_slice %arg3[%multiple_of3A_57] : memref<41613312xf32, #tpu.memory_space<hbm>> -> memref<8192xf32, #tpu.memory_space<hbm>>
              tpu.wait_dma2 semaphore(%run_scoped3A : memref<!tpu.dma_semaphore, #tpu.memory_space<semaphore_mem>>) src(%arg5 : memref<8192xf32, #tpu.memory_space<vmem>>) dst(%dma_wait3A_69 : memref<8192xf32, #tpu.memory_space<hbm>>)
              tpu.yield
            }) : () -> ()
          } else {
          }
          %eq3A_63 = arith.constant 195 : i32
          %eq3A_64 = arith.cmpi eq, %add3A_19, %eq3A_63 : i32
          %convert_element_type3A_65 = arith.extui %eq3A_64 : i1 to i32
          %cond3A_66 = arith.constant 0 : i32
          %cond3A_67 = arith.cmpi ne, %convert_element_type3A_65, %cond3A_66 : i32
          scf.if %cond3A_67 {
            "tpu.region"() ({
              %run_scoped3A = tpu.sem_alloc : memref<!tpu.dma_semaphore, #tpu.memory_space<semaphore_mem>>
              %dma_start3A = arith.constant 0 : i32
              %dma_start3A_68 = tpu.memref_slice %arg5[%dma_start3A] : memref<8192xf32, #tpu.memory_space<vmem>> -> memref<7168xf32, #tpu.memory_space<vmem>>
              %dma_start3A_69 = tpu.memref_slice %arg3[%multiple_of3A_57] : memref<41613312xf32, #tpu.memory_space<hbm>> -> memref<7168xf32, #tpu.memory_space<hbm>>
              %dma_start3A_70 = tpu.memref_slice %arg3[%multiple_of3A_57] : memref<41613312xf32, #tpu.memory_space<hbm>> -> memref<7168xf32, #tpu.memory_space<hbm>>
              %dma_start3A_71 = arith.constant 0 : i32
              %dma_start3A_72 = tpu.memref_slice %arg5[%dma_start3A_71] : memref<8192xf32, #tpu.memory_space<vmem>> -> memref<7168xf32, #tpu.memory_space<vmem>>
              tpu.enqueue_dma source(%dma_start3A_72 : memref<7168xf32, #tpu.memory_space<vmem>>) target(%dma_start3A_70 : memref<7168xf32, #tpu.memory_space<hbm>>) target_semaphore(%run_scoped3A : memref<!tpu.dma_semaphore, #tpu.memory_space<semaphore_mem>>)
              %dma_wait3A = arith.constant 0 : i32
              %dma_wait3A_73 = tpu.memref_slice %arg5[%dma_wait3A] : memref<8192xf32, #tpu.memory_space<vmem>> -> memref<7168xf32, #tpu.memory_space<vmem>>
              %dma_wait3A_74 = tpu.memref_slice %arg3[%multiple_of3A_57] : memref<41613312xf32, #tpu.memory_space<hbm>> -> memref<7168xf32, #tpu.memory_space<hbm>>
              %dma_wait3A_75 = tpu.memref_slice %arg3[%multiple_of3A_57] : memref<41613312xf32, #tpu.memory_space<hbm>> -> memref<7168xf32, #tpu.memory_space<hbm>>
              %dma_wait3A_76 = arith.constant 0 : i32
              %dma_wait3A_77 = tpu.memref_slice %arg5[%dma_wait3A_76] : memref<8192xf32, #tpu.memory_space<vmem>> -> memref<7168xf32, #tpu.memory_space<vmem>>
              tpu.wait_dma2 semaphore(%run_scoped3A : memref<!tpu.dma_semaphore, #tpu.memory_space<semaphore_mem>>) src(%dma_wait3A_77 : memref<7168xf32, #tpu.memory_space<vmem>>) dst(%dma_wait3A_75 : memref<7168xf32, #tpu.memory_space<hbm>>)
              tpu.yield
            }) : () -> ()
          } else {
          }
        } else {
        }
      }
      %scan3A_15 = arith.constant 13 : i32
    }
    %scan3A_6 = arith.constant 13 : i32
    return
  }
}

#map = affine_map<(d0, d1) -> (0, 0)>
#map1 = affine_map<(d0, d1) -> (0)>
module attributes {stable_mosaic.version = 14 : i64} {
  func.func @_sc_gather_body(%arg0: i32, %arg1: i32, %arg2: memref<2600832x16xf32, #tpu.memory_space<hbm>>, %arg3: memref<425984xi32, #tpu.memory_space<hbm>>, %arg4: memref<425984x16xf32, #tpu.memory_space<hbm>>, %arg5: memref<13312xi32, #tpu.memory_space<vmem>>, %arg6: memref<104x128xi32, #tpu.memory_space<vmem>>, %arg7: memref<1024x16xf32, #tpu.memory_space<vmem>>, %arg8: memref<!tpu.dma_semaphore, #tpu.memory_space<semaphore_mem>>) attributes {dimension_semantics = [#tpu.dimension_semantics<core_parallel>, #tpu.dimension_semantics<subcore_parallel>], iteration_bounds = array<i64: 2, 16>, scalar_prefetch = 0 : i64, scratch_operands = 4 : i64, tpu.core_type = #tpu.core_type<sc_vector_subcore>, window_params = [{transform_indices = #map}, {transform_indices = #map1}, {transform_indices = #map}]} {
    %mul3A = arith.constant 2 : i32
    %mul3A_0 = arith.muli %arg1, %mul3A : i32
    %add3A = arith.addi %mul3A_0, %arg0 : i32
    %mul3A_1 = arith.constant 13312 : i32
    %mul3A_2 = arith.muli %add3A, %mul3A_1 : i32
    "tpu.region"() ({
      %run_scoped3A = tpu.sem_alloc : memref<!tpu.dma_semaphore, #tpu.memory_space<semaphore_mem>>
      %dma_start3A = tpu.memref_slice %arg3[%mul3A_2] : memref<425984xi32, #tpu.memory_space<hbm>> -> memref<13312xi32, #tpu.memory_space<hbm>>
      %dma_start3A_14 = tpu.memref_slice %arg3[%mul3A_2] : memref<425984xi32, #tpu.memory_space<hbm>> -> memref<13312xi32, #tpu.memory_space<hbm>>
      tpu.enqueue_dma source(%dma_start3A_14 : memref<13312xi32, #tpu.memory_space<hbm>>) target(%arg5 : memref<13312xi32, #tpu.memory_space<vmem>>) target_semaphore(%run_scoped3A : memref<!tpu.dma_semaphore, #tpu.memory_space<semaphore_mem>>)
      %dma_wait3A = tpu.memref_slice %arg3[%mul3A_2] : memref<425984xi32, #tpu.memory_space<hbm>> -> memref<13312xi32, #tpu.memory_space<hbm>>
      %dma_wait3A_15 = tpu.memref_slice %arg3[%mul3A_2] : memref<425984xi32, #tpu.memory_space<hbm>> -> memref<13312xi32, #tpu.memory_space<hbm>>
      tpu.wait_dma2 semaphore(%run_scoped3A : memref<!tpu.dma_semaphore, #tpu.memory_space<semaphore_mem>>) src(%dma_wait3A_15 : memref<13312xi32, #tpu.memory_space<hbm>>) dst(%arg5 : memref<13312xi32, #tpu.memory_space<vmem>>)
      tpu.yield
    }) : () -> ()
    %iota3A = tpu.iota {dimensions = array<i32: 0>} : vector<16xi32>
    %scan3A = arith.constant 0 : i32
    %scan3A_3 = arith.constant 0 : i32
    %scan3A_4 = arith.constant 832 : i32
    %scan3A_5 = arith.addi %scan3A_3, %scan3A_4 : i32
    %scan3A_6 = arith.constant 1 : i32
    scf.for %scan3A_14 = %scan3A_3 to %scan3A_5 step %scan3A_6  : i32 {
      %mul3A_15 = arith.constant 16 : i32
      %mul3A_16 = arith.muli %scan3A_14, %mul3A_15 : i32
      %add3A_17 = vector.broadcast %mul3A_16 : i32 to vector<16xi32>
      %add3A_18 = arith.addi %add3A_17, %iota3A : vector<16xi32>
      %jit3A = arith.constant 26 : i32
      %eq3A = arith.constant 0 : i32
      %eq3A_19 = arith.cmpi eq, %jit3A, %eq3A : i32
      %jit3A_20 = arith.constant 1 : i32
      %select_n3A = arith.select %eq3A_19, %jit3A_20, %jit3A : i32
      %rem3A = vector.broadcast %select_n3A : i32 to vector<16xi32>
      %rem3A_21 = arith.remsi %add3A_18, %rem3A : vector<16xi32>
      %ne3A = arith.constant 0 : i32
      %ne3A_22 = vector.broadcast %ne3A : i32 to vector<16xi32>
      %ne3A_23 = arith.cmpi ne, %rem3A_21, %ne3A_22 : vector<16xi32>
      %lt3A = arith.constant 0 : i32
      %lt3A_24 = vector.broadcast %lt3A : i32 to vector<16xi32>
      %lt3A_25 = arith.cmpi slt, %rem3A_21, %lt3A_24 : vector<16xi32>
      %lt3A_26 = arith.constant 0 : i32
      %lt3A_27 = arith.cmpi slt, %select_n3A, %lt3A_26 : i32
      %ne3A_28 = vector.broadcast %lt3A_27 : i1 to vector<16xi1>
      %ne3A_29 = vector.broadcast %ne3A_28 : vector<16xi1> to vector<16xi1>
      %ne3A_30 = arith.xori %lt3A_25, %ne3A_29 : vector<16xi1>
      %and3A = arith.andi %ne3A_30, %ne3A_23 : vector<16xi1>
      %add3A_31 = vector.broadcast %select_n3A : i32 to vector<16xi32>
      %add3A_32 = arith.addi %rem3A_21, %add3A_31 : vector<16xi32>
      %select_n3A_33 = arith.select %and3A, %add3A_32, %rem3A_21 : vector<16xi1>, vector<16xi32>
      %mul3A_34 = arith.constant 16 : i32
      %mul3A_35 = arith.muli %scan3A_14, %mul3A_34 : i32
      %get3A = arith.index_cast %mul3A_35 : i32 to index
      %get3A_36 = tpu.vector_load %arg5[%get3A] {strides = array<i32>} : memref<13312xi32, #tpu.memory_space<vmem>>, vector<16xi32>,
      %get3A_37 = vector.shape_cast %get3A_36 : vector<16xi32> to vector<16xi32>
      %mul3A_38 = arith.constant 100032 : i32
      %mul3A_39 = vector.broadcast %mul3A_38 : i32 to vector<16xi32>
      %mul3A_40 = arith.muli %select_n3A_33, %mul3A_39 : vector<16xi32>
      %add3A_41 = arith.addi %get3A_37, %mul3A_40 : vector<16xi32>
      %jit3A_42 = arith.constant 8 : i32
      %div3A = arith.divsi %scan3A_14, %jit3A_42 : i32
      %sign3A = arith.constant 0 : i32
      %sign3A_43 = arith.cmpi sgt, %scan3A_14, %sign3A : i32
      %sign3A_44 = arith.extui %sign3A_43 : i1 to i32
      %sign3A_45 = arith.constant 0 : i32
      %sign3A_46 = arith.cmpi slt, %scan3A_14, %sign3A_45 : i32
      %sign3A_47 = arith.extui %sign3A_46 : i1 to i32
      %sign3A_48 = arith.subi %sign3A_44, %sign3A_47 : i32
      %sign3A_49 = arith.constant 0 : i32
      %sign3A_50 = arith.cmpi sgt, %jit3A_42, %sign3A_49 : i32
      %sign3A_51 = arith.extui %sign3A_50 : i1 to i32
      %sign3A_52 = arith.constant 0 : i32
      %sign3A_53 = arith.cmpi slt, %jit3A_42, %sign3A_52 : i32
      %sign3A_54 = arith.extui %sign3A_53 : i1 to i32
      %sign3A_55 = arith.subi %sign3A_51, %sign3A_54 : i32
      %ne3A_56 = arith.cmpi ne, %sign3A_48, %sign3A_55 : i32
      %rem3A_57 = arith.remsi %scan3A_14, %jit3A_42 : i32
      %ne3A_58 = arith.constant 0 : i32
      %ne3A_59 = arith.cmpi ne, %rem3A_57, %ne3A_58 : i32
      %and3A_60 = arith.andi %ne3A_56, %ne3A_59 : i1
      %sub3A = arith.constant 1 : i32
      %sub3A_61 = arith.subi %div3A, %sub3A : i32
      %select_n3A_62 = arith.select %and3A_60, %sub3A_61, %div3A : i32
      %jit3A_63 = arith.constant 8 : i32
      %eq3A_64 = arith.constant 0 : i32
      %eq3A_65 = arith.cmpi eq, %jit3A_63, %eq3A_64 : i32
      %jit3A_66 = arith.constant 1 : i32
      %select_n3A_67 = arith.select %eq3A_65, %jit3A_66, %jit3A_63 : i32
      %rem3A_68 = arith.remsi %scan3A_14, %select_n3A_67 : i32
      %ne3A_69 = arith.constant 0 : i32
      %ne3A_70 = arith.cmpi ne, %rem3A_68, %ne3A_69 : i32
      %lt3A_71 = arith.constant 0 : i32
      %lt3A_72 = arith.cmpi slt, %rem3A_68, %lt3A_71 : i32
      %lt3A_73 = arith.constant 0 : i32
      %lt3A_74 = arith.cmpi slt, %select_n3A_67, %lt3A_73 : i32
      %ne3A_75 = arith.xori %lt3A_72, %lt3A_74 : i1
      %and3A_76 = arith.andi %ne3A_75, %ne3A_70 : i1
      %add3A_77 = arith.addi %rem3A_68, %select_n3A_67 : i32
      %select_n3A_78 = arith.select %and3A_76, %add3A_77, %rem3A_68 : i32
      %mul3A_79 = arith.constant 16 : i32
      %mul3A_80 = arith.muli %select_n3A_78, %mul3A_79 : i32
      %swap3A = arith.index_cast %select_n3A_62 : i32 to index
      %swap3A_81 = arith.index_cast %mul3A_80 : i32 to index
      %swap3A_82 = tpu.vector_load %arg6[%swap3A, %swap3A_81] {strides = array<i32>} : memref<104x128xi32, #tpu.memory_space<vmem>>, vector<1x16xi32>,
      %swap3A_83 = vector.shape_cast %swap3A_82 : vector<1x16xi32> to vector<16xi32>
      %swap3A_84 = vector.shape_cast %add3A_41 : vector<16xi32> to vector<1x16xi32>
      tpu.vector_store %arg6[%swap3A, %swap3A_81], %swap3A_84 {strides = array<i32>} : memref<104x128xi32, #tpu.memory_space<vmem>>, vector<1x16xi32>,
    }
    %scan3A_7 = arith.constant 832 : i32
    %scan3A_8 = arith.constant 0 : i32
    %scan3A_9 = arith.constant 0 : i32
    %scan3A_10 = arith.constant 13 : i32
    %scan3A_11 = arith.addi %scan3A_9, %scan3A_10 : i32
    %scan3A_12 = arith.constant 1 : i32
    scf.for %scan3A_14 = %scan3A_9 to %scan3A_11 step %scan3A_12  : i32 {
      %mul3A_15 = arith.constant 8 : i32
      %mul3A_16 = arith.muli %scan3A_14, %mul3A_15 : i32
      %add3A_17 = arith.constant 0 : i32
      %add3A_18 = arith.addi %mul3A_16, %add3A_17 : i32
      %dma_start3A = arith.constant 0 : i32
      %dma_start3A_19 = arith.constant 0 : i32
      %dma_start3A_20 = tpu.memref_slice %arg7[%dma_start3A, %dma_start3A_19] : memref<1024x16xf32, #tpu.memory_space<vmem>> -> memref<128x16xf32, #tpu.memory_space<vmem>>
      %dma_start3A_21 = arith.constant 0 : i32
      %dma_start3A_22 = tpu.memref_slice %arg6[%add3A_18, %dma_start3A_21] : memref<104x128xi32, #tpu.memory_space<vmem>> -> memref<1x128xi32, #tpu.memory_space<vmem>>
      %dma_start3A_23 = tpu.memref_squeeze %dma_start3A_22 : memref<1x128xi32, #tpu.memory_space<vmem>> -> memref<128xi32, #tpu.memory_space<vmem>>
      %dma_start3A_24 = arith.constant 0 : i32
      %dma_start3A_25 = arith.constant 0 : i32
      %dma_start3A_26 = tpu.memref_slice %arg2[%dma_start3A_24, %dma_start3A_25] : memref<2600832x16xf32, #tpu.memory_space<hbm>> -> memref<2600832x16xf32, #tpu.memory_space<hbm>>
      tpu.enqueue_indirect_dma source(%dma_start3A_26 : memref<2600832x16xf32, #tpu.memory_space<hbm>>) target(%dma_start3A_20 : memref<128x16xf32, #tpu.memory_space<vmem>>) offsets(%dma_start3A_23 : memref<128xi32, #tpu.memory_space<vmem>>) semaphore(%arg8 : memref<!tpu.dma_semaphore, #tpu.memory_space<semaphore_mem>>)
      %mul3A_27 = arith.constant 8 : i32
      %mul3A_28 = arith.muli %scan3A_14, %mul3A_27 : i32
      %add3A_29 = arith.constant 1 : i32
      %add3A_30 = arith.addi %mul3A_28, %add3A_29 : i32
      %dma_start3A_31 = arith.constant 128 : i32
      %dma_start3A_32 = arith.constant 0 : i32
      %dma_start3A_33 = tpu.memref_slice %arg7[%dma_start3A_31, %dma_start3A_32] : memref<1024x16xf32, #tpu.memory_space<vmem>> -> memref<128x16xf32, #tpu.memory_space<vmem>>
      %dma_start3A_34 = arith.constant 0 : i32
      %dma_start3A_35 = tpu.memref_slice %arg6[%add3A_30, %dma_start3A_34] : memref<104x128xi32, #tpu.memory_space<vmem>> -> memref<1x128xi32, #tpu.memory_space<vmem>>
      %dma_start3A_36 = tpu.memref_squeeze %dma_start3A_35 : memref<1x128xi32, #tpu.memory_space<vmem>> -> memref<128xi32, #tpu.memory_space<vmem>>
      %dma_start3A_37 = arith.constant 0 : i32
      %dma_start3A_38 = arith.constant 0 : i32
      %dma_start3A_39 = tpu.memref_slice %arg2[%dma_start3A_37, %dma_start3A_38] : memref<2600832x16xf32, #tpu.memory_space<hbm>> -> memref<2600832x16xf32, #tpu.memory_space<hbm>>
      tpu.enqueue_indirect_dma source(%dma_start3A_39 : memref<2600832x16xf32, #tpu.memory_space<hbm>>) target(%dma_start3A_33 : memref<128x16xf32, #tpu.memory_space<vmem>>) offsets(%dma_start3A_36 : memref<128xi32, #tpu.memory_space<vmem>>) semaphore(%arg8 : memref<!tpu.dma_semaphore, #tpu.memory_space<semaphore_mem>>)
      %mul3A_40 = arith.constant 8 : i32
      %mul3A_41 = arith.muli %scan3A_14, %mul3A_40 : i32
      %add3A_42 = arith.constant 2 : i32
      %add3A_43 = arith.addi %mul3A_41, %add3A_42 : i32
      %dma_start3A_44 = arith.constant 256 : i32
      %dma_start3A_45 = arith.constant 0 : i32
      %dma_start3A_46 = tpu.memref_slice %arg7[%dma_start3A_44, %dma_start3A_45] : memref<1024x16xf32, #tpu.memory_space<vmem>> -> memref<128x16xf32, #tpu.memory_space<vmem>>
      %dma_start3A_47 = arith.constant 0 : i32
      %dma_start3A_48 = tpu.memref_slice %arg6[%add3A_43, %dma_start3A_47] : memref<104x128xi32, #tpu.memory_space<vmem>> -> memref<1x128xi32, #tpu.memory_space<vmem>>
      %dma_start3A_49 = tpu.memref_squeeze %dma_start3A_48 : memref<1x128xi32, #tpu.memory_space<vmem>> -> memref<128xi32, #tpu.memory_space<vmem>>
      %dma_start3A_50 = arith.constant 0 : i32
      %dma_start3A_51 = arith.constant 0 : i32
      %dma_start3A_52 = tpu.memref_slice %arg2[%dma_start3A_50, %dma_start3A_51] : memref<2600832x16xf32, #tpu.memory_space<hbm>> -> memref<2600832x16xf32, #tpu.memory_space<hbm>>
      tpu.enqueue_indirect_dma source(%dma_start3A_52 : memref<2600832x16xf32, #tpu.memory_space<hbm>>) target(%dma_start3A_46 : memref<128x16xf32, #tpu.memory_space<vmem>>) offsets(%dma_start3A_49 : memref<128xi32, #tpu.memory_space<vmem>>) semaphore(%arg8 : memref<!tpu.dma_semaphore, #tpu.memory_space<semaphore_mem>>)
      %mul3A_53 = arith.constant 8 : i32
      %mul3A_54 = arith.muli %scan3A_14, %mul3A_53 : i32
      %add3A_55 = arith.constant 3 : i32
      %add3A_56 = arith.addi %mul3A_54, %add3A_55 : i32
      %dma_start3A_57 = arith.constant 384 : i32
      %dma_start3A_58 = arith.constant 0 : i32
      %dma_start3A_59 = tpu.memref_slice %arg7[%dma_start3A_57, %dma_start3A_58] : memref<1024x16xf32, #tpu.memory_space<vmem>> -> memref<128x16xf32, #tpu.memory_space<vmem>>
      %dma_start3A_60 = arith.constant 0 : i32
      %dma_start3A_61 = tpu.memref_slice %arg6[%add3A_56, %dma_start3A_60] : memref<104x128xi32, #tpu.memory_space<vmem>> -> memref<1x128xi32, #tpu.memory_space<vmem>>
      %dma_start3A_62 = tpu.memref_squeeze %dma_start3A_61 : memref<1x128xi32, #tpu.memory_space<vmem>> -> memref<128xi32, #tpu.memory_space<vmem>>
      %dma_start3A_63 = arith.constant 0 : i32
      %dma_start3A_64 = arith.constant 0 : i32
      %dma_start3A_65 = tpu.memref_slice %arg2[%dma_start3A_63, %dma_start3A_64] : memref<2600832x16xf32, #tpu.memory_space<hbm>> -> memref<2600832x16xf32, #tpu.memory_space<hbm>>
      tpu.enqueue_indirect_dma source(%dma_start3A_65 : memref<2600832x16xf32, #tpu.memory_space<hbm>>) target(%dma_start3A_59 : memref<128x16xf32, #tpu.memory_space<vmem>>) offsets(%dma_start3A_62 : memref<128xi32, #tpu.memory_space<vmem>>) semaphore(%arg8 : memref<!tpu.dma_semaphore, #tpu.memory_space<semaphore_mem>>)
      %mul3A_66 = arith.constant 8 : i32
      %mul3A_67 = arith.muli %scan3A_14, %mul3A_66 : i32
      %add3A_68 = arith.constant 4 : i32
      %add3A_69 = arith.addi %mul3A_67, %add3A_68 : i32
      %dma_start3A_70 = arith.constant 512 : i32
      %dma_start3A_71 = arith.constant 0 : i32
      %dma_start3A_72 = tpu.memref_slice %arg7[%dma_start3A_70, %dma_start3A_71] : memref<1024x16xf32, #tpu.memory_space<vmem>> -> memref<128x16xf32, #tpu.memory_space<vmem>>
      %dma_start3A_73 = arith.constant 0 : i32
      %dma_start3A_74 = tpu.memref_slice %arg6[%add3A_69, %dma_start3A_73] : memref<104x128xi32, #tpu.memory_space<vmem>> -> memref<1x128xi32, #tpu.memory_space<vmem>>
      %dma_start3A_75 = tpu.memref_squeeze %dma_start3A_74 : memref<1x128xi32, #tpu.memory_space<vmem>> -> memref<128xi32, #tpu.memory_space<vmem>>
      %dma_start3A_76 = arith.constant 0 : i32
      %dma_start3A_77 = arith.constant 0 : i32
      %dma_start3A_78 = tpu.memref_slice %arg2[%dma_start3A_76, %dma_start3A_77] : memref<2600832x16xf32, #tpu.memory_space<hbm>> -> memref<2600832x16xf32, #tpu.memory_space<hbm>>
      tpu.enqueue_indirect_dma source(%dma_start3A_78 : memref<2600832x16xf32, #tpu.memory_space<hbm>>) target(%dma_start3A_72 : memref<128x16xf32, #tpu.memory_space<vmem>>) offsets(%dma_start3A_75 : memref<128xi32, #tpu.memory_space<vmem>>) semaphore(%arg8 : memref<!tpu.dma_semaphore, #tpu.memory_space<semaphore_mem>>)
      %mul3A_79 = arith.constant 8 : i32
      %mul3A_80 = arith.muli %scan3A_14, %mul3A_79 : i32
      %add3A_81 = arith.constant 5 : i32
      %add3A_82 = arith.addi %mul3A_80, %add3A_81 : i32
      %dma_start3A_83 = arith.constant 640 : i32
      %dma_start3A_84 = arith.constant 0 : i32
      %dma_start3A_85 = tpu.memref_slice %arg7[%dma_start3A_83, %dma_start3A_84] : memref<1024x16xf32, #tpu.memory_space<vmem>> -> memref<128x16xf32, #tpu.memory_space<vmem>>
      %dma_start3A_86 = arith.constant 0 : i32
      %dma_start3A_87 = tpu.memref_slice %arg6[%add3A_82, %dma_start3A_86] : memref<104x128xi32, #tpu.memory_space<vmem>> -> memref<1x128xi32, #tpu.memory_space<vmem>>
      %dma_start3A_88 = tpu.memref_squeeze %dma_start3A_87 : memref<1x128xi32, #tpu.memory_space<vmem>> -> memref<128xi32, #tpu.memory_space<vmem>>
      %dma_start3A_89 = arith.constant 0 : i32
      %dma_start3A_90 = arith.constant 0 : i32
      %dma_start3A_91 = tpu.memref_slice %arg2[%dma_start3A_89, %dma_start3A_90] : memref<2600832x16xf32, #tpu.memory_space<hbm>> -> memref<2600832x16xf32, #tpu.memory_space<hbm>>
      tpu.enqueue_indirect_dma source(%dma_start3A_91 : memref<2600832x16xf32, #tpu.memory_space<hbm>>) target(%dma_start3A_85 : memref<128x16xf32, #tpu.memory_space<vmem>>) offsets(%dma_start3A_88 : memref<128xi32, #tpu.memory_space<vmem>>) semaphore(%arg8 : memref<!tpu.dma_semaphore, #tpu.memory_space<semaphore_mem>>)
      %mul3A_92 = arith.constant 8 : i32
      %mul3A_93 = arith.muli %scan3A_14, %mul3A_92 : i32
      %add3A_94 = arith.constant 6 : i32
      %add3A_95 = arith.addi %mul3A_93, %add3A_94 : i32
      %dma_start3A_96 = arith.constant 768 : i32
      %dma_start3A_97 = arith.constant 0 : i32
      %dma_start3A_98 = tpu.memref_slice %arg7[%dma_start3A_96, %dma_start3A_97] : memref<1024x16xf32, #tpu.memory_space<vmem>> -> memref<128x16xf32, #tpu.memory_space<vmem>>
      %dma_start3A_99 = arith.constant 0 : i32
      %dma_start3A_100 = tpu.memref_slice %arg6[%add3A_95, %dma_start3A_99] : memref<104x128xi32, #tpu.memory_space<vmem>> -> memref<1x128xi32, #tpu.memory_space<vmem>>
      %dma_start3A_101 = tpu.memref_squeeze %dma_start3A_100 : memref<1x128xi32, #tpu.memory_space<vmem>> -> memref<128xi32, #tpu.memory_space<vmem>>
      %dma_start3A_102 = arith.constant 0 : i32
      %dma_start3A_103 = arith.constant 0 : i32
      %dma_start3A_104 = tpu.memref_slice %arg2[%dma_start3A_102, %dma_start3A_103] : memref<2600832x16xf32, #tpu.memory_space<hbm>> -> memref<2600832x16xf32, #tpu.memory_space<hbm>>
      tpu.enqueue_indirect_dma source(%dma_start3A_104 : memref<2600832x16xf32, #tpu.memory_space<hbm>>) target(%dma_start3A_98 : memref<128x16xf32, #tpu.memory_space<vmem>>) offsets(%dma_start3A_101 : memref<128xi32, #tpu.memory_space<vmem>>) semaphore(%arg8 : memref<!tpu.dma_semaphore, #tpu.memory_space<semaphore_mem>>)
      %mul3A_105 = arith.constant 8 : i32
      %mul3A_106 = arith.muli %scan3A_14, %mul3A_105 : i32
      %add3A_107 = arith.constant 7 : i32
      %add3A_108 = arith.addi %mul3A_106, %add3A_107 : i32
      %dma_start3A_109 = arith.constant 896 : i32
      %dma_start3A_110 = arith.constant 0 : i32
      %dma_start3A_111 = tpu.memref_slice %arg7[%dma_start3A_109, %dma_start3A_110] : memref<1024x16xf32, #tpu.memory_space<vmem>> -> memref<128x16xf32, #tpu.memory_space<vmem>>
      %dma_start3A_112 = arith.constant 0 : i32
      %dma_start3A_113 = tpu.memref_slice %arg6[%add3A_108, %dma_start3A_112] : memref<104x128xi32, #tpu.memory_space<vmem>> -> memref<1x128xi32, #tpu.memory_space<vmem>>
      %dma_start3A_114 = tpu.memref_squeeze %dma_start3A_113 : memref<1x128xi32, #tpu.memory_space<vmem>> -> memref<128xi32, #tpu.memory_space<vmem>>
      %dma_start3A_115 = arith.constant 0 : i32
      %dma_start3A_116 = arith.constant 0 : i32
      %dma_start3A_117 = tpu.memref_slice %arg2[%dma_start3A_115, %dma_start3A_116] : memref<2600832x16xf32, #tpu.memory_space<hbm>> -> memref<2600832x16xf32, #tpu.memory_space<hbm>>
      tpu.enqueue_indirect_dma source(%dma_start3A_117 : memref<2600832x16xf32, #tpu.memory_space<hbm>>) target(%dma_start3A_111 : memref<128x16xf32, #tpu.memory_space<vmem>>) offsets(%dma_start3A_114 : memref<128xi32, #tpu.memory_space<vmem>>) semaphore(%arg8 : memref<!tpu.dma_semaphore, #tpu.memory_space<semaphore_mem>>)
      %dma_wait3A = arith.constant 0 : i32
      %dma_wait3A_118 = arith.constant 0 : i32
      %dma_wait3A_119 = tpu.memref_slice %arg7[%dma_wait3A, %dma_wait3A_118] : memref<1024x16xf32, #tpu.memory_space<vmem>> -> memref<128x16xf32, #tpu.memory_space<vmem>>
      %dma_wait3A_120 = arith.constant 0 : i32
      %dma_wait3A_121 = tpu.memref_slice %arg6[%add3A_18, %dma_wait3A_120] : memref<104x128xi32, #tpu.memory_space<vmem>> -> memref<1x128xi32, #tpu.memory_space<vmem>>
      %dma_wait3A_122 = tpu.memref_squeeze %dma_wait3A_121 : memref<1x128xi32, #tpu.memory_space<vmem>> -> memref<128xi32, #tpu.memory_space<vmem>>
      %dma_wait3A_123 = arith.constant 0 : i32
      %dma_wait3A_124 = arith.constant 0 : i32
      %dma_wait3A_125 = tpu.memref_slice %arg2[%dma_wait3A_123, %dma_wait3A_124] : memref<2600832x16xf32, #tpu.memory_space<hbm>> -> memref<2600832x16xf32, #tpu.memory_space<hbm>>
      tpu.wait_indirect_dma semaphore(%arg8 : memref<!tpu.dma_semaphore, #tpu.memory_space<semaphore_mem>>) src(%dma_wait3A_125 : memref<2600832x16xf32, #tpu.memory_space<hbm>>) dst(%dma_wait3A_119 : memref<128x16xf32, #tpu.memory_space<vmem>>)
      %dma_wait3A_126 = arith.constant 128 : i32
      %dma_wait3A_127 = arith.constant 0 : i32
      %dma_wait3A_128 = tpu.memref_slice %arg7[%dma_wait3A_126, %dma_wait3A_127] : memref<1024x16xf32, #tpu.memory_space<vmem>> -> memref<128x16xf32, #tpu.memory_space<vmem>>
      %dma_wait3A_129 = arith.constant 0 : i32
      %dma_wait3A_130 = tpu.memref_slice %arg6[%add3A_30, %dma_wait3A_129] : memref<104x128xi32, #tpu.memory_space<vmem>> -> memref<1x128xi32, #tpu.memory_space<vmem>>
      %dma_wait3A_131 = tpu.memref_squeeze %dma_wait3A_130 : memref<1x128xi32, #tpu.memory_space<vmem>> -> memref<128xi32, #tpu.memory_space<vmem>>
      %dma_wait3A_132 = arith.constant 0 : i32
      %dma_wait3A_133 = arith.constant 0 : i32
      %dma_wait3A_134 = tpu.memref_slice %arg2[%dma_wait3A_132, %dma_wait3A_133] : memref<2600832x16xf32, #tpu.memory_space<hbm>> -> memref<2600832x16xf32, #tpu.memory_space<hbm>>
      tpu.wait_indirect_dma semaphore(%arg8 : memref<!tpu.dma_semaphore, #tpu.memory_space<semaphore_mem>>) src(%dma_wait3A_134 : memref<2600832x16xf32, #tpu.memory_space<hbm>>) dst(%dma_wait3A_128 : memref<128x16xf32, #tpu.memory_space<vmem>>)
      %dma_wait3A_135 = arith.constant 256 : i32
      %dma_wait3A_136 = arith.constant 0 : i32
      %dma_wait3A_137 = tpu.memref_slice %arg7[%dma_wait3A_135, %dma_wait3A_136] : memref<1024x16xf32, #tpu.memory_space<vmem>> -> memref<128x16xf32, #tpu.memory_space<vmem>>
      %dma_wait3A_138 = arith.constant 0 : i32
      %dma_wait3A_139 = tpu.memref_slice %arg6[%add3A_43, %dma_wait3A_138] : memref<104x128xi32, #tpu.memory_space<vmem>> -> memref<1x128xi32, #tpu.memory_space<vmem>>
      %dma_wait3A_140 = tpu.memref_squeeze %dma_wait3A_139 : memref<1x128xi32, #tpu.memory_space<vmem>> -> memref<128xi32, #tpu.memory_space<vmem>>
      %dma_wait3A_141 = arith.constant 0 : i32
      %dma_wait3A_142 = arith.constant 0 : i32
      %dma_wait3A_143 = tpu.memref_slice %arg2[%dma_wait3A_141, %dma_wait3A_142] : memref<2600832x16xf32, #tpu.memory_space<hbm>> -> memref<2600832x16xf32, #tpu.memory_space<hbm>>
      tpu.wait_indirect_dma semaphore(%arg8 : memref<!tpu.dma_semaphore, #tpu.memory_space<semaphore_mem>>) src(%dma_wait3A_143 : memref<2600832x16xf32, #tpu.memory_space<hbm>>) dst(%dma_wait3A_137 : memref<128x16xf32, #tpu.memory_space<vmem>>)
      %dma_wait3A_144 = arith.constant 384 : i32
      %dma_wait3A_145 = arith.constant 0 : i32
      %dma_wait3A_146 = tpu.memref_slice %arg7[%dma_wait3A_144, %dma_wait3A_145] : memref<1024x16xf32, #tpu.memory_space<vmem>> -> memref<128x16xf32, #tpu.memory_space<vmem>>
      %dma_wait3A_147 = arith.constant 0 : i32
      %dma_wait3A_148 = tpu.memref_slice %arg6[%add3A_56, %dma_wait3A_147] : memref<104x128xi32, #tpu.memory_space<vmem>> -> memref<1x128xi32, #tpu.memory_space<vmem>>
      %dma_wait3A_149 = tpu.memref_squeeze %dma_wait3A_148 : memref<1x128xi32, #tpu.memory_space<vmem>> -> memref<128xi32, #tpu.memory_space<vmem>>
      %dma_wait3A_150 = arith.constant 0 : i32
      %dma_wait3A_151 = arith.constant 0 : i32
      %dma_wait3A_152 = tpu.memref_slice %arg2[%dma_wait3A_150, %dma_wait3A_151] : memref<2600832x16xf32, #tpu.memory_space<hbm>> -> memref<2600832x16xf32, #tpu.memory_space<hbm>>
      tpu.wait_indirect_dma semaphore(%arg8 : memref<!tpu.dma_semaphore, #tpu.memory_space<semaphore_mem>>) src(%dma_wait3A_152 : memref<2600832x16xf32, #tpu.memory_space<hbm>>) dst(%dma_wait3A_146 : memref<128x16xf32, #tpu.memory_space<vmem>>)
      %dma_wait3A_153 = arith.constant 512 : i32
      %dma_wait3A_154 = arith.constant 0 : i32
      %dma_wait3A_155 = tpu.memref_slice %arg7[%dma_wait3A_153, %dma_wait3A_154] : memref<1024x16xf32, #tpu.memory_space<vmem>> -> memref<128x16xf32, #tpu.memory_space<vmem>>
      %dma_wait3A_156 = arith.constant 0 : i32
      %dma_wait3A_157 = tpu.memref_slice %arg6[%add3A_69, %dma_wait3A_156] : memref<104x128xi32, #tpu.memory_space<vmem>> -> memref<1x128xi32, #tpu.memory_space<vmem>>
      %dma_wait3A_158 = tpu.memref_squeeze %dma_wait3A_157 : memref<1x128xi32, #tpu.memory_space<vmem>> -> memref<128xi32, #tpu.memory_space<vmem>>
      %dma_wait3A_159 = arith.constant 0 : i32
      %dma_wait3A_160 = arith.constant 0 : i32
      %dma_wait3A_161 = tpu.memref_slice %arg2[%dma_wait3A_159, %dma_wait3A_160] : memref<2600832x16xf32, #tpu.memory_space<hbm>> -> memref<2600832x16xf32, #tpu.memory_space<hbm>>
      tpu.wait_indirect_dma semaphore(%arg8 : memref<!tpu.dma_semaphore, #tpu.memory_space<semaphore_mem>>) src(%dma_wait3A_161 : memref<2600832x16xf32, #tpu.memory_space<hbm>>) dst(%dma_wait3A_155 : memref<128x16xf32, #tpu.memory_space<vmem>>)
      %dma_wait3A_162 = arith.constant 640 : i32
      %dma_wait3A_163 = arith.constant 0 : i32
      %dma_wait3A_164 = tpu.memref_slice %arg7[%dma_wait3A_162, %dma_wait3A_163] : memref<1024x16xf32, #tpu.memory_space<vmem>> -> memref<128x16xf32, #tpu.memory_space<vmem>>
      %dma_wait3A_165 = arith.constant 0 : i32
      %dma_wait3A_166 = tpu.memref_slice %arg6[%add3A_82, %dma_wait3A_165] : memref<104x128xi32, #tpu.memory_space<vmem>> -> memref<1x128xi32, #tpu.memory_space<vmem>>
      %dma_wait3A_167 = tpu.memref_squeeze %dma_wait3A_166 : memref<1x128xi32, #tpu.memory_space<vmem>> -> memref<128xi32, #tpu.memory_space<vmem>>
      %dma_wait3A_168 = arith.constant 0 : i32
      %dma_wait3A_169 = arith.constant 0 : i32
      %dma_wait3A_170 = tpu.memref_slice %arg2[%dma_wait3A_168, %dma_wait3A_169] : memref<2600832x16xf32, #tpu.memory_space<hbm>> -> memref<2600832x16xf32, #tpu.memory_space<hbm>>
      tpu.wait_indirect_dma semaphore(%arg8 : memref<!tpu.dma_semaphore, #tpu.memory_space<semaphore_mem>>) src(%dma_wait3A_170 : memref<2600832x16xf32, #tpu.memory_space<hbm>>) dst(%dma_wait3A_164 : memref<128x16xf32, #tpu.memory_space<vmem>>)
      %dma_wait3A_171 = arith.constant 768 : i32
      %dma_wait3A_172 = arith.constant 0 : i32
      %dma_wait3A_173 = tpu.memref_slice %arg7[%dma_wait3A_171, %dma_wait3A_172] : memref<1024x16xf32, #tpu.memory_space<vmem>> -> memref<128x16xf32, #tpu.memory_space<vmem>>
      %dma_wait3A_174 = arith.constant 0 : i32
      %dma_wait3A_175 = tpu.memref_slice %arg6[%add3A_95, %dma_wait3A_174] : memref<104x128xi32, #tpu.memory_space<vmem>> -> memref<1x128xi32, #tpu.memory_space<vmem>>
      %dma_wait3A_176 = tpu.memref_squeeze %dma_wait3A_175 : memref<1x128xi32, #tpu.memory_space<vmem>> -> memref<128xi32, #tpu.memory_space<vmem>>
      %dma_wait3A_177 = arith.constant 0 : i32
      %dma_wait3A_178 = arith.constant 0 : i32
      %dma_wait3A_179 = tpu.memref_slice %arg2[%dma_wait3A_177, %dma_wait3A_178] : memref<2600832x16xf32, #tpu.memory_space<hbm>> -> memref<2600832x16xf32, #tpu.memory_space<hbm>>
      tpu.wait_indirect_dma semaphore(%arg8 : memref<!tpu.dma_semaphore, #tpu.memory_space<semaphore_mem>>) src(%dma_wait3A_179 : memref<2600832x16xf32, #tpu.memory_space<hbm>>) dst(%dma_wait3A_173 : memref<128x16xf32, #tpu.memory_space<vmem>>)
      %dma_wait3A_180 = arith.constant 896 : i32
      %dma_wait3A_181 = arith.constant 0 : i32
      %dma_wait3A_182 = tpu.memref_slice %arg7[%dma_wait3A_180, %dma_wait3A_181] : memref<1024x16xf32, #tpu.memory_space<vmem>> -> memref<128x16xf32, #tpu.memory_space<vmem>>
      %dma_wait3A_183 = arith.constant 0 : i32
      %dma_wait3A_184 = tpu.memref_slice %arg6[%add3A_108, %dma_wait3A_183] : memref<104x128xi32, #tpu.memory_space<vmem>> -> memref<1x128xi32, #tpu.memory_space<vmem>>
      %dma_wait3A_185 = tpu.memref_squeeze %dma_wait3A_184 : memref<1x128xi32, #tpu.memory_space<vmem>> -> memref<128xi32, #tpu.memory_space<vmem>>
      %dma_wait3A_186 = arith.constant 0 : i32
      %dma_wait3A_187 = arith.constant 0 : i32
      %dma_wait3A_188 = tpu.memref_slice %arg2[%dma_wait3A_186, %dma_wait3A_187] : memref<2600832x16xf32, #tpu.memory_space<hbm>> -> memref<2600832x16xf32, #tpu.memory_space<hbm>>
      tpu.wait_indirect_dma semaphore(%arg8 : memref<!tpu.dma_semaphore, #tpu.memory_space<semaphore_mem>>) src(%dma_wait3A_188 : memref<2600832x16xf32, #tpu.memory_space<hbm>>) dst(%dma_wait3A_182 : memref<128x16xf32, #tpu.memory_space<vmem>>)
      %mul3A_189 = arith.constant 1024 : i32
      %mul3A_190 = arith.muli %scan3A_14, %mul3A_189 : i32
      %add3A_191 = arith.addi %mul3A_2, %mul3A_190 : i32
      "tpu.region"() ({
        %run_scoped3A = tpu.sem_alloc : memref<!tpu.dma_semaphore, #tpu.memory_space<semaphore_mem>>
        %dma_start3A_192 = arith.constant 0 : i32
        %dma_start3A_193 = tpu.memref_slice %arg4[%add3A_191, %dma_start3A_192] : memref<425984x16xf32, #tpu.memory_space<hbm>> -> memref<1024x16xf32, #tpu.memory_space<hbm>>
        %dma_start3A_194 = arith.constant 0 : i32
        %dma_start3A_195 = tpu.memref_slice %arg4[%add3A_191, %dma_start3A_194] : memref<425984x16xf32, #tpu.memory_space<hbm>> -> memref<1024x16xf32, #tpu.memory_space<hbm>>
        tpu.enqueue_dma source(%arg7 : memref<1024x16xf32, #tpu.memory_space<vmem>>) target(%dma_start3A_195 : memref<1024x16xf32, #tpu.memory_space<hbm>>) target_semaphore(%run_scoped3A : memref<!tpu.dma_semaphore, #tpu.memory_space<semaphore_mem>>)
        %dma_wait3A_196 = arith.constant 0 : i32
        %dma_wait3A_197 = tpu.memref_slice %arg4[%add3A_191, %dma_wait3A_196] : memref<425984x16xf32, #tpu.memory_space<hbm>> -> memref<1024x16xf32, #tpu.memory_space<hbm>>
        %dma_wait3A_198 = arith.constant 0 : i32
        %dma_wait3A_199 = tpu.memref_slice %arg4[%add3A_191, %dma_wait3A_198] : memref<425984x16xf32, #tpu.memory_space<hbm>> -> memref<1024x16xf32, #tpu.memory_space<hbm>>
        tpu.wait_dma2 semaphore(%run_scoped3A : memref<!tpu.dma_semaphore, #tpu.memory_space<semaphore_mem>>) src(%arg7 : memref<1024x16xf32, #tpu.memory_space<vmem>>) dst(%dma_wait3A_199 : memref<1024x16xf32, #tpu.memory_space<hbm>>)
        tpu.yield
      }) : () -> ()
    }
    %scan3A_13 = arith.constant 13 : i32
    return
  }
}

module attributes {stable_mosaic.version = 14 : i64} {
  func.func @_mlp_body(%arg0: i32, %arg1: memref<1024x416xf32, #tpu.memory_space<vmem>>, %arg2: memref<1024x1xf32, #tpu.memory_space<vmem>>, %arg3: memref<1x100xf32, #tpu.memory_space<vmem>>, %arg4: memref<1x100xf32, #tpu.memory_space<vmem>>, %arg5: memref<416x128xf32, #tpu.memory_space<vmem>>, %arg6: memref<1x128xf32, #tpu.memory_space<vmem>>, %arg7: memref<128x64xf32, #tpu.memory_space<vmem>>, %arg8: memref<1x64xf32, #tpu.memory_space<vmem>>, %arg9: memref<64x1xf32, #tpu.memory_space<vmem>>, %arg10: memref<1x1xf32, #tpu.memory_space<vmem>>, %arg11: memref<1024x1xf32, #tpu.memory_space<vmem>>) attributes {dimension_semantics = [#tpu.dimension_semantics<arbitrary>], iteration_bounds = array<i64: 16>, scalar_prefetch = 0 : i64, scratch_operands = 0 : i64, tpu.core_type = #tpu.core_type<tc>, window_params = [{transform_indices = @transform_0, window_bounds = array<i64: 1024, 416>}, {transform_indices = @transform_1, window_bounds = array<i64: 1024, 1>}, {pipeline_mode = #tpu.pipeline_mode<synchronous>, transform_indices = @transform_2, window_bounds = array<i64: 1, 100>}, {pipeline_mode = #tpu.pipeline_mode<synchronous>, transform_indices = @transform_3, window_bounds = array<i64: 1, 100>}, {pipeline_mode = #tpu.pipeline_mode<synchronous>, transform_indices = @transform_4, window_bounds = array<i64: 416, 128>}, {pipeline_mode = #tpu.pipeline_mode<synchronous>, transform_indices = @transform_5, window_bounds = array<i64: 1, 128>}, {pipeline_mode = #tpu.pipeline_mode<synchronous>, transform_indices = @transform_6, window_bounds = array<i64: 128, 64>}, {pipeline_mode = #tpu.pipeline_mode<synchronous>, transform_indices = @transform_7, window_bounds = array<i64: 1, 64>}, {pipeline_mode = #tpu.pipeline_mode<synchronous>, transform_indices = @transform_8, window_bounds = array<i64: 64, 1>}, {pipeline_mode = #tpu.pipeline_mode<synchronous>, transform_indices = @transform_9, window_bounds = array<i64: 1, 1>}, {transform_indices = @transform_10, window_bounds = array<i64: 1024, 1>}]} {
    %get3A = arith.constant 0 : index
    %get3A_0 = arith.constant 0 : index
    %get3A_1 = vector.load %arg1[%get3A, %get3A_0] : memref<1024x416xf32, #tpu.memory_space<vmem>>, vector<1024x416xf32>
    %get3A_2 = arith.constant 0 : index
    %get3A_3 = arith.constant 0 : index
    %get3A_4 = vector.load %arg5[%get3A_2, %get3A_3] : memref<416x128xf32, #tpu.memory_space<vmem>>, vector<416x128xf32>
    %dot_general3A = arith.constant dense<0.000000e+00> : vector<1024x128xf32>
    %dot_general3A_5 = tpu.matmul %get3A_1, %get3A_4, %dot_general3A {dimension_numbers = #tpu.dot_dimension_numbers<[1], [0], [0], [1], [0, 0, 1, 1], [], []>, transpose_lhs_hint = false} : vector<1024x416xf32>, vector<416x128xf32>, vector<1024x128xf32> -> vector<1024x128xf32>
    %get3A_6 = arith.constant 0 : index
    %get3A_7 = arith.constant 0 : index
    %get3A_8 = vector.load %arg6[%get3A_6, %get3A_7] : memref<1x128xf32, #tpu.memory_space<vmem>>, vector<1x128xf32>
    %add3A = vector.broadcast %get3A_8 : vector<1x128xf32> to vector<1024x128xf32>
    %add3A_9 = arith.addf %dot_general3A_5, %add3A : vector<1024x128xf32>
    %max3A = arith.constant 0.000000e+00 : f32
    %max3A_10 = vector.broadcast %max3A : f32 to vector<1024x128xf32>
    %max3A_11 = arith.maximumf %add3A_9, %max3A_10 : vector<1024x128xf32>
    %get3A_12 = arith.constant 0 : index
    %get3A_13 = arith.constant 0 : index
    %get3A_14 = vector.load %arg7[%get3A_12, %get3A_13] : memref<128x64xf32, #tpu.memory_space<vmem>>, vector<128x64xf32>
    %dot_general3A_15 = arith.constant dense<0.000000e+00> : vector<1024x64xf32>
    %dot_general3A_16 = tpu.matmul %max3A_11, %get3A_14, %dot_general3A_15 {dimension_numbers = #tpu.dot_dimension_numbers<[1], [0], [0], [1], [0, 0, 1, 1], [], []>, transpose_lhs_hint = false} : vector<1024x128xf32>, vector<128x64xf32>, vector<1024x64xf32> -> vector<1024x64xf32>
    %get3A_17 = arith.constant 0 : index
    %get3A_18 = arith.constant 0 : index
    %get3A_19 = vector.load %arg8[%get3A_17, %get3A_18] : memref<1x64xf32, #tpu.memory_space<vmem>>, vector<1x64xf32>
    %add3A_20 = vector.broadcast %get3A_19 : vector<1x64xf32> to vector<1024x64xf32>
    %add3A_21 = arith.addf %dot_general3A_16, %add3A_20 : vector<1024x64xf32>
    %max3A_22 = arith.constant 0.000000e+00 : f32
    %max3A_23 = vector.broadcast %max3A_22 : f32 to vector<1024x64xf32>
    %max3A_24 = arith.maximumf %add3A_21, %max3A_23 : vector<1024x64xf32>
    %get3A_25 = arith.constant 0 : index
    %get3A_26 = arith.constant 0 : index
    %get3A_27 = vector.load %arg9[%get3A_25, %get3A_26] : memref<64x1xf32, #tpu.memory_space<vmem>>, vector<64x1xf32>
    %dot_general3A_28 = arith.constant dense<0.000000e+00> : vector<1024x1xf32>
    %dot_general3A_29 = tpu.matmul %max3A_24, %get3A_27, %dot_general3A_28 {dimension_numbers = #tpu.dot_dimension_numbers<[1], [0], [0], [1], [0, 0, 1, 1], [], []>, transpose_lhs_hint = false} : vector<1024x64xf32>, vector<64x1xf32>, vector<1024x1xf32> -> vector<1024x1xf32>
    %get3A_30 = arith.constant 0 : index
    %get3A_31 = arith.constant 0 : index
    %get3A_32 = vector.load %arg10[%get3A_30, %get3A_31] : memref<1x1xf32, #tpu.memory_space<vmem>>, vector<1x1xf32>
    %add3A_33 = vector.broadcast %get3A_32 : vector<1x1xf32> to vector<1024x1xf32>
    %add3A_34 = arith.addf %dot_general3A_29, %add3A_33 : vector<1024x1xf32>
    %get3A_35 = arith.constant 0 : index
    %get3A_36 = arith.constant 0 : index
    %get3A_37 = vector.load %arg3[%get3A_35, %get3A_36] : memref<1x100xf32, #tpu.memory_space<vmem>>, vector<1x100xf32>
    %get3A_38 = arith.constant 0 : index
    %get3A_39 = arith.constant 0 : index
    %get3A_40 = vector.load %arg4[%get3A_38, %get3A_39] : memref<1x100xf32, #tpu.memory_space<vmem>>, vector<1x100xf32>
    %slice3A = vector.extract_strided_slice %get3A_37 {offsets = [0, 0], sizes = [1, 1], strides = [1, 1]} : vector<1x100xf32> to vector<1x1xf32>
    %squeeze3A = vector.extract %slice3A[0, 0] : f32 from vector<1x1xf32>
    %slice3A_41 = vector.extract_strided_slice %get3A_37 {offsets = [0, 99], sizes = [1, 1], strides = [1, 1]} : vector<1x100xf32> to vector<1x1xf32>
    %squeeze3A_42 = vector.extract %slice3A_41[0, 0] : f32 from vector<1x1xf32>
    %get3A_43 = arith.constant 0 : index
    %get3A_44 = arith.constant 0 : index
    %get3A_45 = vector.load %arg2[%get3A_43, %get3A_44] : memref<1024x1xf32, #tpu.memory_space<vmem>>, vector<1024x1xf32>
    %max3A_46 = vector.broadcast %squeeze3A : f32 to vector<1024x1xf32>
    %max3A_47 = arith.maximumf %max3A_46, %get3A_45 : vector<1024x1xf32>
    %min3A = vector.broadcast %squeeze3A_42 : f32 to vector<1024x1xf32>
    %min3A_48 = arith.minimumf %min3A, %max3A_47 : vector<1024x1xf32>
    %le3A = vector.broadcast %get3A_37 : vector<1x100xf32> to vector<1024x100xf32>
    %le3A_49 = vector.broadcast %min3A_48 : vector<1024x1xf32> to vector<1024x100xf32>
    %le3A_50 = arith.cmpf ole, %le3A, %le3A_49 : vector<1024x100xf32>
    %convert_element_type3A = arith.extui %le3A_50 : vector<1024x100xi1> to vector<1024x100xi32>
    %reduce_sum3A = arith.constant dense<0> : vector<1024xi32>
    %reduce_sum3A_51 = vector.multi_reduction <add>, %convert_element_type3A, %reduce_sum3A [1] : vector<1024x100xi32> to vector<1024xi32>
    %broadcast_in_dim3A = vector.shape_cast %reduce_sum3A_51 : vector<1024xi32> to vector<1024x1xi32>
    %sub3A = arith.constant 1 : i32
    %sub3A_52 = vector.broadcast %sub3A : i32 to vector<1024x1xi32>
    %sub3A_53 = arith.subi %broadcast_in_dim3A, %sub3A_52 : vector<1024x1xi32>
    %add3A_54 = arith.constant 1 : i32
    %add3A_55 = vector.broadcast %add3A_54 : i32 to vector<1024x1xi32>
    %add3A_56 = arith.addi %sub3A_53, %add3A_55 : vector<1024x1xi32>
    %min3A_57 = arith.constant 99 : i32
    %min3A_58 = vector.broadcast %min3A_57 : i32 to vector<1024x1xi32>
    %min3A_59 = arith.minsi %add3A_56, %min3A_58 : vector<1024x1xi32>
    %iota3A = tpu.iota {dimensions = array<i32: 1>} : vector<1024x100xi32>
    %eq3A = vector.broadcast %sub3A_53 : vector<1024x1xi32> to vector<1024x100xi32>
    %eq3A_60 = arith.cmpi eq, %iota3A, %eq3A : vector<1024x100xi32>
    %jit3A = arith.constant 0.000000e+00 : f32
    %broadcast_in_dim3A_61 = vector.shape_cast %get3A_40 : vector<1x100xf32> to vector<1x100xf32>
    %broadcast_in_dim3A_62 = vector.broadcast %broadcast_in_dim3A_61 : vector<1x100xf32> to vector<1024x100xf32>
    %broadcast_in_dim3A_63 = vector.broadcast %jit3A : f32 to vector<1024x100xf32>
    %select_n3A = arith.select %eq3A_60, %broadcast_in_dim3A_62, %broadcast_in_dim3A_63 : vector<1024x100xi1>, vector<1024x100xf32>
    %reduce_sum3A_64 = arith.constant dense<0.000000e+00> : vector<1024xf32>
    %reduce_sum3A_65 = vector.multi_reduction <add>, %select_n3A, %reduce_sum3A_64 [1] : vector<1024x100xf32> to vector<1024xf32>
    %broadcast_in_dim3A_66 = vector.shape_cast %reduce_sum3A_65 : vector<1024xf32> to vector<1024x1xf32>
    %eq3A_67 = vector.broadcast %min3A_59 : vector<1024x1xi32> to vector<1024x100xi32>
    %eq3A_68 = arith.cmpi eq, %iota3A, %eq3A_67 : vector<1024x100xi32>
    %jit3A_69 = arith.constant 0.000000e+00 : f32
    %broadcast_in_dim3A_70 = vector.shape_cast %get3A_40 : vector<1x100xf32> to vector<1x100xf32>
    %broadcast_in_dim3A_71 = vector.broadcast %broadcast_in_dim3A_70 : vector<1x100xf32> to vector<1024x100xf32>
    %broadcast_in_dim3A_72 = vector.broadcast %jit3A_69 : f32 to vector<1024x100xf32>
    %select_n3A_73 = arith.select %eq3A_68, %broadcast_in_dim3A_71, %broadcast_in_dim3A_72 : vector<1024x100xi1>, vector<1024x100xf32>
    %reduce_sum3A_74 = arith.constant dense<0.000000e+00> : vector<1024xf32>
    %reduce_sum3A_75 = vector.multi_reduction <add>, %select_n3A_73, %reduce_sum3A_74 [1] : vector<1024x100xf32> to vector<1024xf32>
    %broadcast_in_dim3A_76 = vector.shape_cast %reduce_sum3A_75 : vector<1024xf32> to vector<1024x1xf32>
    %eq3A_77 = vector.broadcast %sub3A_53 : vector<1024x1xi32> to vector<1024x100xi32>
    %eq3A_78 = arith.cmpi eq, %iota3A, %eq3A_77 : vector<1024x100xi32>
    %jit3A_79 = arith.constant 0.000000e+00 : f32
    %broadcast_in_dim3A_80 = vector.shape_cast %get3A_37 : vector<1x100xf32> to vector<1x100xf32>
    %broadcast_in_dim3A_81 = vector.broadcast %broadcast_in_dim3A_80 : vector<1x100xf32> to vector<1024x100xf32>
    %broadcast_in_dim3A_82 = vector.broadcast %jit3A_79 : f32 to vector<1024x100xf32>
    %select_n3A_83 = arith.select %eq3A_78, %broadcast_in_dim3A_81, %broadcast_in_dim3A_82 : vector<1024x100xi1>, vector<1024x100xf32>
    %reduce_sum3A_84 = arith.constant dense<0.000000e+00> : vector<1024xf32>
    %reduce_sum3A_85 = vector.multi_reduction <add>, %select_n3A_83, %reduce_sum3A_84 [1] : vector<1024x100xf32> to vector<1024xf32>
    %broadcast_in_dim3A_86 = vector.shape_cast %reduce_sum3A_85 : vector<1024xf32> to vector<1024x1xf32>
    %eq3A_87 = vector.broadcast %min3A_59 : vector<1024x1xi32> to vector<1024x100xi32>
    %eq3A_88 = arith.cmpi eq, %iota3A, %eq3A_87 : vector<1024x100xi32>
    %jit3A_89 = arith.constant 0.000000e+00 : f32
    %broadcast_in_dim3A_90 = vector.shape_cast %get3A_37 : vector<1x100xf32> to vector<1x100xf32>
    %broadcast_in_dim3A_91 = vector.broadcast %broadcast_in_dim3A_90 : vector<1x100xf32> to vector<1024x100xf32>
    %broadcast_in_dim3A_92 = vector.broadcast %jit3A_89 : f32 to vector<1024x100xf32>
    %select_n3A_93 = arith.select %eq3A_88, %broadcast_in_dim3A_91, %broadcast_in_dim3A_92 : vector<1024x100xi1>, vector<1024x100xf32>
    %reduce_sum3A_94 = arith.constant dense<0.000000e+00> : vector<1024xf32>
    %reduce_sum3A_95 = vector.multi_reduction <add>, %select_n3A_93, %reduce_sum3A_94 [1] : vector<1024x100xf32> to vector<1024xf32>
    %broadcast_in_dim3A_96 = vector.shape_cast %reduce_sum3A_95 : vector<1024xf32> to vector<1024x1xf32>
    %sub3A_97 = arith.subf %min3A_48, %broadcast_in_dim3A_86 : vector<1024x1xf32>
    %sub3A_98 = arith.subf %broadcast_in_dim3A_76, %broadcast_in_dim3A_66 : vector<1024x1xf32>
    %mul3A = arith.mulf %sub3A_97, %sub3A_98 : vector<1024x1xf32>
    %sub3A_99 = arith.subf %broadcast_in_dim3A_96, %broadcast_in_dim3A_86 : vector<1024x1xf32>
    %add3A_100 = arith.constant 9.99999974E-5 : f32
    %add3A_101 = vector.broadcast %add3A_100 : f32 to vector<1024x1xf32>
    %add3A_102 = arith.addf %sub3A_99, %add3A_101 : vector<1024x1xf32>
    %div3A = arith.divf %mul3A, %add3A_102 : vector<1024x1xf32>
    %add3A_103 = arith.addf %broadcast_in_dim3A_66, %div3A : vector<1024x1xf32>
    %add3A_104 = arith.addf %add3A_103, %add3A_34 : vector<1024x1xf32>
    %swap3A = arith.constant 0 : index
    %swap3A_105 = arith.constant 0 : index
    %swap3A_106 = vector.load %arg11[%swap3A, %swap3A_105] : memref<1024x1xf32, #tpu.memory_space<vmem>>, vector<1024x1xf32>
    tpu.vector_store %arg11[%swap3A, %swap3A_105], %add3A_104 {strides = array<i32>} : memref<1024x1xf32, #tpu.memory_space<vmem>>, vector<1024x1xf32>,
    return
  }
  func.func @transform_0(%arg0: i32) -> (i32, i32) {
    %c0_i32 = arith.constant 0 : i32
    %c0_i32_0 = arith.constant 0 : i32
    return %arg0, %c0_i32 : i32, i32
  }
  func.func @transform_1(%arg0: i32) -> (i32, i32) {
    %c0_i32 = arith.constant 0 : i32
    %c0_i32_0 = arith.constant 0 : i32
    return %arg0, %c0_i32 : i32, i32
  }
  func.func @transform_2(%arg0: i32) -> (i32, i32) {
    %c0_i32 = arith.constant 0 : i32
    %c0_i32_0 = arith.constant 0 : i32
    %c0_i32_1 = arith.constant 0 : i32
    return %c0_i32, %c0_i32_0 : i32, i32
  }
  func.func @transform_3(%arg0: i32) -> (i32, i32) {
    %c0_i32 = arith.constant 0 : i32
    %c0_i32_0 = arith.constant 0 : i32
    %c0_i32_1 = arith.constant 0 : i32
    return %c0_i32, %c0_i32_0 : i32, i32
  }
  func.func @transform_4(%arg0: i32) -> (i32, i32) {
    %c0_i32 = arith.constant 0 : i32
    %c0_i32_0 = arith.constant 0 : i32
    %c0_i32_1 = arith.constant 0 : i32
    return %c0_i32, %c0_i32_0 : i32, i32
  }
  func.func @transform_5(%arg0: i32) -> (i32, i32) {
    %c0_i32 = arith.constant 0 : i32
    %c0_i32_0 = arith.constant 0 : i32
    %c0_i32_1 = arith.constant 0 : i32
    return %c0_i32, %c0_i32_0 : i32, i32
  }
  func.func @transform_6(%arg0: i32) -> (i32, i32) {
    %c0_i32 = arith.constant 0 : i32
    %c0_i32_0 = arith.constant 0 : i32
    %c0_i32_1 = arith.constant 0 : i32
    return %c0_i32, %c0_i32_0 : i32, i32
  }
  func.func @transform_7(%arg0: i32) -> (i32, i32) {
    %c0_i32 = arith.constant 0 : i32
    %c0_i32_0 = arith.constant 0 : i32
    %c0_i32_1 = arith.constant 0 : i32
    return %c0_i32, %c0_i32_0 : i32, i32
  }
  func.func @transform_8(%arg0: i32) -> (i32, i32) {
    %c0_i32 = arith.constant 0 : i32
    %c0_i32_0 = arith.constant 0 : i32
    %c0_i32_1 = arith.constant 0 : i32
    return %c0_i32, %c0_i32_0 : i32, i32
  }
  func.func @transform_9(%arg0: i32) -> (i32, i32) {
    %c0_i32 = arith.constant 0 : i32
    %c0_i32_0 = arith.constant 0 : i32
    %c0_i32_1 = arith.constant 0 : i32
    return %c0_i32, %c0_i32_0 : i32, i32
  }
  func.func @transform_10(%arg0: i32) -> (i32, i32) {
    %c0_i32 = arith.constant 0 : i32
    %c0_i32_0 = arith.constant 0 : i32
    return %arg0, %c0_i32 : i32, i32
  }
}

</mosaic_0001>

<sc_bundles>
// kernel: kernel.5.cloned.1.call-start
scs
__scs_entry_jumppad:
0x0: {  	(pc) =	sbr.rel $0x88, $3  }
0x1: {  	(tag) =	ssettag $0x0;
	lr =	simm.s32 $0x1  }
0x2: {  	[smem:$0x3F97] =	sst lr;
	_ =	strace $0xD0000000  }
0x3: {  	_ = 	snop  }
0x4: {  	_ = 	snop  }
0x5: {  	_ = 	snop  }
0x6: {  	_ = 	snop  }
0x7: {  	_ = 	snop  }
__scs_overlays_trampoline_lowered:
0x8: {  	[smem:$0x3FA6] =	sst s0  }
0x9: {  	[smem:$0x3FA7] =	sst s1  }
0xa: {  	[smem:$0x3FA8] =	sst s2  }
0xb: {  	[smem:$0x3FA9] =	sst s3  }
0xc: {  	[smem:$0x3FAA] =	sst s4  }
0xd: {  	[smem:$0x3FAB] =	sst s5  }
0xe: {  	[smem:$0x3FAC] =	sst s6  }
0xf: {  	[smem:$0x3FAD] =	sst s7  }
0x10: {  	[smem:$0x3FAE] =	sst s8  }
0x11: {  	[smem:$0x3FAF] =	sst s9;
	s0 =	simm.s32 @!p0 $0x0  }
0x12: {  	s1 =	sld [smem:$0x3F95];
	s0 =	simm.s32 @p0 $0x1  }
0x13: {  	[smem:$0x3FB0] =	sst s0;
	s0 =	simm.s32 @!p1 $0x0  }
0x14: {  	s2 =	sld [smem:$0x3F94];
	s0 =	simm.s32 @p1 $0x1  }
0x15: {  	[smem:$0x3FB1] =	sst s0;
	s0 =	simm.s32 @!p2 $0x0  }
0x16: {  	s3 =	sld [smem:$0x3FDB];
	s0 =	simm.s32 @p2 $0x1  }
0x17: {  	s4 =	simm.s32 $0x1BF5;
	[smem:$0x3FB3] =	sst s0  }
0x18: {  	s0 =	sld [smem:$0x3F96];
	_ =	swait.ge [sflag:s4], $0x0  }
0x19: {  	s7 =	sld [smem:$0x3F97]  }
0x1a: {  	s8 =	sadd.s32 $0xFFFFE003, lr  }
0x1b: {  	s9 =	sadd.s32 $0xFFFFFEF7, lr;
	s5 =	simm.s32 $0xFFFFFFFF;
	p2 =	slt.u32 s8, $0xFFFFF086  }
0x1c: {  	p1 =	slt.u32 s9, $0xF7A;
	s5 =	simm.s32 @!p2 $0x0  }
0x1d: {  	s5 =	simm.s32 @p1 $0x1;
	p0 =	seq.s32 s7, s2  }
0x1e: {  	s7 =	smul.u32 @!p0 $0xF7A, s2;
	p2 =	seq.s32 @!p0 s5, $0x0  }
0x1f: {  	s9 =	smul.u32 $0xF7A, s1;
	s8 =	simm.s32 @!p0 $0x1BF5;
	p2 =	por !p2, p0  }
0x20: {  	[sflag:s8] =	ssyncset.s32 @!p0 $0xFFFFF086;
	s6 =	sadd.s32 @!p0 s3, s7;
	s7 =	simm.s32 @!p0 $0x108  }
0x21: {  	s3 =	sadd.s32 s3, s9;
	s6 =	sadd.s32 @!p0 $0x88, s6;
	s7 =	simm.s32 @p2 $0x1082  }
0x22: {  	[simem:s7], [sflag:s8] =	dma.local @!p0 [hbm:s6], $0xF7A  }
0x23: {  	s9 =	sor.u32 $0xD0000000, s2;
	s6 =	simm.s32 $0x108;
	_ =	swait.ge @!p0 [sflag:s8], $0x0  }
0x24: {  	s3 =	sadd.s32 $0x88, s3;
	s6 =	simm.s32 @!p1 $0x1082;
	[sflag:s4] =	ssyncset.s32 $0xFFFFF086  }
0x25: {  	[simem:s6], [sflag:s4] =	dma.local [hbm:s3], $0xF7A  }
0x26: {  	[smem:$0x3F97] =	sst s1;
	(tag) =	ssettag s2;
	_ =	strace s9  }
0x27: {  	s1 =	sld [smem:$0x3FA7]  }
0x28: {  	s2 =	sld [smem:$0x3FA8]  }
0x29: {  	s4 =	sld [smem:$0x3FAA]  }
0x2a: {  	p0 =	seq.s32 s5, $0x0;
	s5 =	sld [smem:$0x3FAB]  }
0x2b: {  	s6 =	sld [smem:$0x3FAC]  }
0x2c: {  	s7 =	sld [smem:$0x3FAD]  }
0x2d: {  	s3 =	simm.s32 $0x108;
	s8 =	sld [smem:$0x3FAE]  }
0x2e: {  	s3 =	simm.s32 @!p0 $0x1082;
	s9 =	sld [smem:$0x3FAF]  }
0x2f: {  	lr =	sadd.s32 s0, s3;
	s0 =	sld [smem:$0x3FA6]  }
0x30: {  	s3 =	sld [smem:$0x3FA9]  }
0x31: {  	[smem:$0x3FB2] =	sst s10  }
0x32: {  	s10 =	sld [smem:$0x3FB0];
	_ =	sdelay $0x3  }
0x33: {  	p0 =	seq.s32 s10, $0x1;
	s10 =	sld [smem:$0x3FB2];
	_ =	sdelay $0x3  }
0x34: {  	[smem:$0x3FB2] =	sst s10  }
0x35: {  	s10 =	sld [smem:$0x3FB1];
	_ =	sdelay $0x3  }
0x36: {  	p1 =	seq.s32 s10, $0x1;
	s10 =	sld [smem:$0x3FB2];
	_ =	sdelay $0x3  }
0x37: {  	[smem:$0x3FB2] =	sst s10  }
0x38: {  	s10 =	sld [smem:$0x3FB3]  }
0x39: {  	_ = 	snop;
	(pc) =	sbr.ind lr, $3  }
0x3a: {  	_ = 	snop  }
0x3b: {  	_ = 	snop  }
0x3c: {  	p2 =	seq.s32 s10, $0x1;
	s10 =	sld [smem:$0x3FB2]  }
0x3d: {  	_ =	shalt  }
0x3e: {  	_ =	shalt  }
0x3f: {  	_ =	shalt  }
0x40: {  	_ =	shalt  }
0x41: {  	_ =	shalt  }
0x42: {  	_ =	shalt  }
0x43: {  	_ =	shalt  }
0x44: {  	_ =	shalt  }
0x45: {  	_ =	shalt  }
0x46: {  	_ =	shalt  }
0x47: {  	_ =	shalt  }
0x48: {  	_ =	shalt  }
0x49: {  	_ =	shalt  }
0x4a: {  	_ =	shalt  }
0x4b: {  	_ =	shalt  }
0x4c: {  	_ =	shalt  }
0x4d: {  	_ =	shalt  }
0x4e: {  	_ =	shalt  }
0x4f: {  	_ =	shalt  }
0x50: {  	_ =	shalt  }
0x51: {  	_ =	shalt  }
0x52: {  	_ =	shalt  }
0x53: {  	_ =	shalt  }
0x54: {  	_ =	shalt  }
0x55: {  	_ =	shalt  }
0x56: {  	_ =	shalt  }
0x57: {  	_ =	shalt  }
0x58: {  	_ =	shalt  }
0x59: {  	_ =	shalt  }
0x5a: {  	_ =	shalt  }
0x5b: {  	_ =	shalt  }
0x5c: {  	_ =	shalt  }
0x5d: {  	_ =	shalt  }
0x5e: {  	_ =	shalt  }
0x5f: {  	_ =	shalt  }
0x60: {  	_ =	shalt  }
0x61: {  	_ =	shalt  }
0x62: {  	_ =	shalt  }
0x63: {  	_ =	shalt  }
0x64: {  	_ =	shalt  }
0x65: {  	_ =	shalt  }
0x66: {  	_ =	shalt  }
0x67: {  	_ =	shalt  }
0x68: {  	_ =	shalt  }
0x69: {  	_ =	shalt  }
0x6a: {  	_ =	shalt  }
0x6b: {  	_ =	shalt  }
0x6c: {  	_ =	shalt  }
0x6d: {  	_ =	shalt  }
0x6e: {  	_ =	shalt  }
0x6f: {  	_ =	shalt  }
0x70: {  	_ =	shalt  }
0x71: {  	_ =	shalt  }
0x72: {  	_ =	shalt  }
0x73: {  	_ =	shalt  }
0x74: {  	_ =	shalt  }
0x75: {  	_ =	shalt  }
0x76: {  	_ =	shalt  }
0x77: {  	_ =	shalt  }
0x78: {  	_ =	shalt  }
0x79: {  	_ =	shalt  }
0x7a: {  	_ =	shalt  }
0x7b: {  	_ =	shalt  }
0x7c: {  	_ =	shalt  }
0x7d: {  	_ =	shalt  }
0x7e: {  	_ =	shalt  }
0x7f: {  	_ =	shalt  }
0x80: {  	_ =	shalt  }
0x81: {  	_ =	shalt  }
0x82: {  	_ =	shalt  }
0x83: {  	_ =	shalt  }
0x84: {  	_ =	shalt  }
0x85: {  	_ =	shalt  }
0x86: {  	_ =	shalt  }
0x87: {  	_ =	shalt  }
.Lfunc_end0:
.L_simem_size_0:
called_computation_lowered:
.L_overlay_start_0:
0x88: {  	s2 =	sld [smem:$0x3FD9]  }
0x89: {  	s3 =	sld [smem:$0x3FFE];
	_ =	sdelay $0x1  }
0x8a: {  	s1 =	srdreg.scid  }
0x8b: {  	s0 =	sand.u32 $0x1, s1  }
0x8c: {  	s17 =	sshll.u32 s0, $0xA;
	s2 =	sadd.s32 s3, s2  }
0x8d: {  	s2 =	sadd.s32 s2, s17  }
0x8e: {  	[smem:$0x3FBE] =	sst s2  }
0x8f: {  	_ = 	snop  }
0x90: {  	s2 =	sld [smem:$0x3FC7];
	(tm) =	ssettm $0x1  }
0x91: {  	s18 =	sld [smem:$0x3FFB];
	_ =	sdelay $0x3  }
0x92: {  	_ =	strace s18  }
0x93: {  	s3 =	sld [smem:$0x3FFC];
	_ =	sdelay $0x3  }
0x94: {  	_ =	strace s3  }
0x95: {  	s3 =	sld [smem:$0x3FFD];
	_ =	sdelay $0x3  }
0x96: {  	_ =	strace s3  }
0x97: {  	_ =	strace $0x8FFFFFFF  }
0x98: {  	s19 =	sld [smem:$0x3FDB];
	_ =	sdelay $0x1  }
0x99: {  	s4 =	simm.s32 $_scs_section_size  }
0x9a: {  	s5 =	simm.s32 $_size__tile_overlayer_lowered;
	s6 =	simm.s32 $_tile_overlayer_lowered  }
0x9b: {  	s22 =	simm.s32 $0x1BFF;
	s21 =	sshll.u32 s6, $0x1;
	s3 =	sadd.s32 s4, s19  }
0x9c: {  	s7 =	simm.s32 $0x0;
	s20 =	sshll.u32 s5, $0x1;
	s5 =	sadd.s32 s21, s3  }
0x9d: {  	[timem:s7], [sflag:s22] =	dma.local [hbm:s5], s20  }
0x9e: {  	_ =	swait.ge [sflag:s22], s20  }
0x9f: {  	s4 =	ssub.s32 $0x0, s20;
	[sflag:s22] =	ssyncset.done $0x0  }
0xa0: {  	[sflag:s22] =	ssyncadd.s32 s4;
	_ =	sdelay $0x1  }
0xa1: {  	s23 =	simm.s32 $0x1B8B  }
0xa2: {  	_ =	swait.ge [sflag:s23], $0x1  }
0xa3: {  	[sflag:s23] =	ssyncset.done $0x0  }
0xa4: {  	s25 =	simm.s32 $0x1B8E;
	s24 =	sld [smem:$0x3FFE];
	[sflag:s23] =	ssyncadd.s32 $0xFFFFFFFF  }
0xa5: {  	s26 =	simm.s32 $execute0_lowered;
	[smem:$0x3FD2] =	sst s25  }
0xa6: {  	s5 =	sshll.u32 s26, $0x1;
	_ =	strace $0x80000046;
	[dreg:$0x1] =	wrdreg $0xFFFFFFFF  }
0xa7: {  	s28 =	simm.s32 $_size_execute0_lowered;
	s3 =	sadd.s32 s3, s5;
	[dreg:$0x0] =	wrdreg $0x0  }
0xa8: {  	s5 =	sshll.u32 s28, $0x1;
	[dreg:$0x2] =	wrdreg s3  }
0xa9: {  	[dreg:$0x3] =	wrdreg s5  }
0xaa: {  	[dreg:$0x4] =	wrdreg $0xC0  }
0xab: {  	_ =	task [dreg:s7], $0x5FFFF  }
0xac: {  	[dreg:$0x1] =	wrdreg $0xFFFFFFFF  }
0xad: {  	[dreg:$0x0] =	wrdreg $0x60  }
0xae: {  	[dreg:$0x2] =	wrdreg s2  }
0xaf: {  	[dreg:$0x3] =	wrdreg s24  }
0xb0: {  	[dreg:$0x4] =	wrdreg $0x9  }
0xb1: {  	_ =	task.clear_ibuf [dreg:s7], $0x5FFFF;
	_ =	strace $0x90000046  }
0xb2: {  	s29 =	simm.s32 $0x9;
	_ =	strace $0x80000048  }
0xb3: {  	_ =	swait.ge [sflag:s29], $0x1  }
0xb4: {  	[sflag:s29] =	ssyncadd.s32 $0xFFFFFFFF  }
0xb5: {  	_ =	strace $0x90000048  }
0xb6: {  	_ =	sfence  }
0xb7: {  	s30 =	sld [smem:$0x0];
	_ =	sdelay $0x2  }
0xb8: {  	s31 =	sshll.u32 s1, $0xD;
	s1 =	sshrl.u32 s1, $0x2  }
0xb9: {  	s3 =	sand.u32 $0x4000, s31;
	s1 =	sadd.s32 s1, s30  }
0xba: {  	s0 =	sor.u32 s3, s0;
	s1 =	sshll.u32 s1, $0x11  }
0xbb: {  	s0 =	sor.u32 s1, s0  }
0xbc: {  	s0 =	sadd.s32 $0x8F2B, s0  }
0xbd: {  	[sflag:s0] =	ssyncadd.remote.s32 $0x1  }
0xbe: {  	_ =	sfence.sel $0xFFFF  }
0xbf: {  	[dreg:$0x0] =	wrdreg $0xFFFFFFFF;
	(pc) =	sbr.abs _section_cstart, $3  }
0xc0: {  	[dreg:$0x1] =	wrdreg $0xFFFFFFFF  }
0xc1: {  	_ =	task.clear_ibuf [dreg:s7], $0x2FFFF;
	_ =	strace $0x9FFFFFFF  }
0xc2: {  	(tm) =	ssettm $0x7FFFFFFF  }
0xc3: {  	_ =	shalt  }
tec
execute0_lowered:
.L_overlay_start_1:
0x0: {  	(tag) =	ssettag $0x1  }
0x1: {  	s1 =	rddreg [dreg:$0x0]  }
0x2: {  	s0 =	srdreg.scid;
	s4 =	rddreg [dreg:$0x1];
	s3 =	simm.s32 $0x0  }
.Ltmp0:
0x3: {  	s8 =	simm.s32 $0xC3800;
	s2 =	sand.u32 $0x1, s0;
	(pc) =	sbr.rel .LBB2_1-.Ltmp0, $4  }
0x4: {  	s9 =	simm.s32 $0x2;
	s0 =	rddreg [dreg:$0x2];
	s6 =	ssub.s32 $0x2, s2  }
0x5: {  	s10 =	simm.s32 $0x2000;
	[smem:$0x7FF] =	sst s3;
	s7 =	sshrl.u32 s6, $0x1  }
0x6: {  	v0 =	vlaneseq.u32;
	s5 =	sadd.s32 $0x1800, s4;
	s4 =	stileid.u32;
	s6 =	ssub.s32 s6, s7  }
0x7: {  	vm0 =	vmxor vm0, vm0;
	v0 =	vmul.u32 $0x10, v0;
	_ =	strace $0x80000047;
	s7 =	simm.s32 $0x1000;
	s6 =	smax.u32 s6, $0x1  }
.LBB2_9:
0x8: {  	s3 =	sadd.s32 $0x1, s3  }
0x9: {  	p0 =	sne.s32 s3, s6  }
.Ltmp1:
0xa: {  	_ = 	snop;
	(pc) =	sbr.rel @!p0 .LBB2_10-.Ltmp1, $1  }
0xb: {  	_ =	sdelay $0x3  }
.LBB2_1:
.Ltmp2:
0xc: {  	(pc) =	sbr.rel .LBB2_2-.Ltmp2, $2  }
0xd: {  	_ =	sdelay $0x2  }
0xe: {  	s11 =	simm.s32 $0x0  }
.LBB2_8:
0xf: {  	s11 =	sadd.s32 $0x1, s11  }
0x10: {  	p0 =	sne.s32 s11, $0xD  }
.Ltmp3:
0x11: {  	_ = 	snop;
	(pc) =	sbr.rel @!p0 .LBB2_9-.Ltmp3, $1  }
0x12: {  	_ =	sdelay $0x3  }
.LBB2_2:
.Ltmp4:
0x13: {  	s12 =	sshll.u32 s11, $0x1;
	(pc) =	sbr.rel .LBB2_3-.Ltmp4, $3  }
0x14: {  	s13 =	sor.u32 s2, s12  }
0x15: {  	s12 =	smul.u32 $0x30E00, s13;
	_ =	sdelay $0x1  }
0x16: {  	s14 =	simm.s32 $0x0;
	s13 =	smul.u32 $0x30D8, s13;
	s12 =	sadd.s32 s1, s12  }
.LBB2_6:
0x17: {  	_ =	sdelay $0x3  }
0x18: {  	p1 =	slt.u32 s21, $0x186A0;
	s19 =	sand.u32 $0xC00, s17;
	vm2 =	vmmov vm0  }
0x19: {  	s25 =	sadd.s32 $0xFFFFFFF1, s16;
	[tilespmem:v2+s10+$0x0] =	vst.idx.msk vm1, v1;
	vm2 =	vmneg @p1 vm2;
	s19 =	sor.u32 s20, s19  }
0x1a: {  	v2 =	vor.u32 s25, v0;
	v1 =	vld [tilespmem:s19+$0x0];
	_ =	sdelay $0x4  }
0x1b: {  	s26 =	sadd.s32 $0xFFFFFFF2, s16;
	[tilespmem:v2+s10+$0x0] =	vst.idx.msk vm2, v1  }
0x1c: {  	v2 =	vor.u32 s26, v0;
	v1 =	vld [tilespmem:s19+$0x80];
	_ =	sdelay $0x4  }
0x1d: {  	s28 =	sadd.s32 $0xFFFFFFF3, s16;
	[tilespmem:v2+s10+$0x0] =	vst.idx.msk vm2, v1  }
0x1e: {  	v2 =	vor.u32 s28, v0;
	v1 =	vld [tilespmem:s19+$0x100];
	_ =	sdelay $0x4  }
0x1f: {  	s29 =	sadd.s32 $0xFFFFFFF4, s16;
	[tilespmem:v2+s10+$0x0] =	vst.idx.msk vm2, v1  }
0x20: {  	v2 =	vor.u32 s29, v0;
	v1 =	vld [tilespmem:s19+$0x180];
	_ =	sdelay $0x4  }
0x21: {  	s30 =	sadd.s32 $0xFFFFFFF5, s16;
	[tilespmem:v2+s10+$0x0] =	vst.idx.msk vm2, v1  }
0x22: {  	v2 =	vor.u32 s30, v0;
	v1 =	vld [tilespmem:s19+$0x200];
	_ =	sdelay $0x4  }
0x23: {  	s31 =	sadd.s32 $0xFFFFFFF6, s16;
	[tilespmem:v2+s10+$0x0] =	vst.idx.msk vm2, v1  }
0x24: {  	v2 =	vor.u32 s31, v0;
	v1 =	vld [tilespmem:s19+$0x280];
	_ =	sdelay $0x4  }
0x25: {  	s21 =	sadd.s32 $0xFFFFFFF7, s16;
	[tilespmem:v2+s10+$0x0] =	vst.idx.msk vm2, v1  }
0x26: {  	v2 =	vor.u32 s21, v0;
	v1 =	vld [tilespmem:s19+$0x300];
	_ =	sdelay $0x3  }
0x27: {  	s22 =	sor.u32 s17, s18  }
0x28: {  	s23 =	sadd.s32 $0xFFFFFFF8, s16;
	s17 =	sor.u32 $0x380, s22;
	[tilespmem:v2+s10+$0x0] =	vst.idx.msk vm2, v1  }
0x29: {  	v2 =	vor.u32 s23, v0;
	v1 =	vld [tilespmem:s17+$0x0];
	_ =	sdelay $0x4  }
0x2a: {  	s24 =	sadd.s32 $0xFFFFFFF9, s16;
	[tilespmem:v2+s10+$0x0] =	vst.idx.msk vm2, v1  }
0x2b: {  	v2 =	vor.u32 s24, v0;
	v1 =	vld [tilespmem:s19+$0x1000];
	_ =	sdelay $0x4  }
0x2c: {  	s25 =	sadd.s32 $0xFFFFFFFA, s16;
	[tilespmem:v2+s10+$0x0] =	vst.idx.msk vm2, v1  }
0x2d: {  	v2 =	vor.u32 s25, v0;
	v1 =	vld [tilespmem:s19+$0x1080];
	_ =	sdelay $0x4  }
0x2e: {  	s26 =	sadd.s32 $0xFFFFFFFB, s16;
	[tilespmem:v2+s10+$0x0] =	vst.idx.msk vm2, v1  }
0x2f: {  	v2 =	vor.u32 s26, v0;
	v1 =	vld [tilespmem:s19+$0x1100];
	_ =	sdelay $0x4  }
0x30: {  	s28 =	sadd.s32 $0xFFFFFFFC, s16;
	[tilespmem:v2+s10+$0x0] =	vst.idx.msk vm2, v1  }
0x31: {  	v2 =	vor.u32 s28, v0;
	v1 =	vld [tilespmem:s19+$0x1180];
	_ =	sdelay $0x4  }
0x32: {  	s29 =	sadd.s32 $0xFFFFFFFD, s16;
	[tilespmem:v2+s10+$0x0] =	vst.idx.msk vm2, v1  }
0x33: {  	v2 =	vor.u32 s29, v0;
	v1 =	vld [tilespmem:s19+$0x1200];
	_ =	sdelay $0x4  }
0x34: {  	s30 =	sadd.s32 $0xFFFFFFFE, s16;
	[tilespmem:v2+s10+$0x0] =	vst.idx.msk vm2, v1  }
0x35: {  	v2 =	vor.u32 s30, v0;
	v1 =	vld [tilespmem:s19+$0x1280];
	_ =	sdelay $0x4  }
0x36: {  	s31 =	sadd.s32 $0xFFFFFFFF, s16;
	[tilespmem:v2+s10+$0x0] =	vst.idx.msk vm2, v1  }
0x37: {  	v2 =	vor.u32 s31, v0;
	v1 =	vld [tilespmem:s19+$0x1300];
	_ =	sdelay $0x4  }
0x38: {  	[tilespmem:v2+s10+$0x0] =	vst.idx.msk vm2, v1  }
0x39: {  	v2 =	vor.u32 s16, v0;
	v1 =	vld [tilespmem:s19+$0x1380]  }
0x3a: {  	s15 =	sshrl.u32 s15, $0x3  }
0x3b: {  	s15 =	sadd.s32 s13, s15  }
0x3c: {  	s15 =	sshll.u32 s15, $0x4  }
0x3d: {  	s15 =	sand.u32 $0x1FFFFF80, s15  }
0x3e: {  	s15 =	sadd.s32 s5, s15;
	s17 =	simm.s32 @p0 $0x2000;
	s16 =	simm.s32 @p0 $0x0;
	[tilespmem:v2+s10+$0x0] =	vst.idx.msk vm2, v1  }
0x3f: {  	[hbm4b:s15+s16] =	stream.linear.scatter @p0 [tilespmem:s17], [sflag:$0x1], $0x1C00, $0x38;
	[tilespmem:$0x4000] =	vst v63  }
0x40: {  	s16 =	simm.s32 @p0 $0x1  }
0x41: {  	_ =	swait.ge @p0 [sflag:s16], $0x1C00  }
0x42: {  	[sflag:s16] =	ssyncset.done @p0 $0x0  }
0x43: {  	s17 =	simm.s32 @!p0 $0x2000;
	[sflag:s16] =	ssyncadd.s32 @p0 $0xFFFFE400;
	s16 =	simm.s32 @!p0 $0x0  }
0x44: {  	[hbm4b:s15+s16] =	stream.linear.scatter @!p0 [tilespmem:s17], [sflag:$0x2], $0x2000, $0x38;
	[tilespmem:$0x4000] =	vst v63  }
0x45: {  	s15 =	simm.s32 @!p0 $0x2  }
0x46: {  	_ =	swait.ge @!p0 [sflag:s15], $0x2000  }
0x47: {  	[sflag:s15] =	ssyncset.done @!p0 $0x0  }
0x48: {  	[sflag:s15] =	ssyncadd.s32 @!p0 $0xFFFFE000  }
.LBB2_7:
0x49: {  	s14 =	sadd.s32 $0x1, s14  }
0x4a: {  	p0 =	sne.s32 s14, $0xD  }
.Ltmp5:
0x4b: {  	_ = 	snop;
	(pc) =	sbr.rel @!p0 .LBB2_8-.Ltmp5, $1  }
0x4c: {  	_ =	sdelay $0x3  }
.LBB2_3:
0x4d: {  	s15 =	sshll.u32 s14, $0x4  }
0x4e: {  	s15 =	sor.u32 s4, s15  }
0x4f: {  	p0 =	sgt.u32 s15, $0xC3  }
.Ltmp6:
0x50: {  	_ = 	snop;
	(pc) =	sbr.rel @p0 .LBB2_7-.Ltmp6, $1  }
0x51: {  	_ =	sdelay $0x3  }
0x52: {  	p0 =	seq.s32 s15, $0xC3;
	s15 =	sshll.u32 s15, $0x9  }
0x53: {  	s15 =	simm.s32 @p0 $0x18500  }
0x54: {  	s17 =	simm.s32 $0x0;
	s16 =	sadd.s32 s15, s12  }
0x55: {  	[tilespmem:s17], [sflag:$0x2] =	stream.strided.gather [hbm4b:s16+s7], $0x2000, s8, s7, $0x38;
	[tilespmem:$0x4000] =	vst v63  }
0x56: {  	s18 =	sand.u32 $0x70, s17;
	s25 =	sadd.s32 $0x0, s15;
	_ =	swait.ge [sflag:s9], $0x2000  }
0x57: {  	vm1 =	vmmov vm0;
	s26 =	sand.u32 $0xC00, s17;
	p1 =	slt.u32 s25, $0x186A0;
	[sflag:s9] =	ssyncset.done $0x0  }
0x58: {  	s20 =	simm.s32 $0x0;
	s19 =	sor.u32 s18, s26;
	vm1 =	vmneg @p1 vm1;
	[sflag:s9] =	ssyncadd.s32 $0xFFFFE000  }
0x59: {  	v2 =	vor.u32 s20, v0;
	v1 =	vld [tilespmem:s19+$0x0];
	_ =	sdelay $0x4  }
0x5a: {  	s28 =	simm.s32 $0x1;
	[tilespmem:v2+s10+$0x0] =	vst.idx.msk vm1, v1  }
0x5b: {  	v2 =	vor.u32 s28, v0;
	v1 =	vld [tilespmem:s19+$0x80];
	_ =	sdelay $0x4  }
0x5c: {  	s29 =	simm.s32 $0x2;
	[tilespmem:v2+s10+$0x0] =	vst.idx.msk vm1, v1  }
0x5d: {  	v2 =	vor.u32 s29, v0;
	v1 =	vld [tilespmem:s19+$0x100];
	_ =	sdelay $0x4  }
0x5e: {  	s30 =	simm.s32 $0x3;
	[tilespmem:v2+s10+$0x0] =	vst.idx.msk vm1, v1  }
0x5f: {  	v2 =	vor.u32 s30, v0;
	v1 =	vld [tilespmem:s19+$0x180];
	_ =	sdelay $0x4  }
0x60: {  	s31 =	simm.s32 $0x4;
	[tilespmem:v2+s10+$0x0] =	vst.idx.msk vm1, v1  }
0x61: {  	v2 =	vor.u32 s31, v0;
	v1 =	vld [tilespmem:s19+$0x200];
	_ =	sdelay $0x4  }
0x62: {  	s18 =	simm.s32 $0x5;
	[tilespmem:v2+s10+$0x0] =	vst.idx.msk vm1, v1  }
0x63: {  	v2 =	vor.u32 s18, v0;
	v1 =	vld [tilespmem:s19+$0x280];
	_ =	sdelay $0x4  }
0x64: {  	s20 =	simm.s32 $0x6;
	[tilespmem:v2+s10+$0x0] =	vst.idx.msk vm1, v1  }
0x65: {  	v2 =	vor.u32 s20, v0;
	v1 =	vld [tilespmem:s19+$0x300];
	_ =	sdelay $0x3  }
0x66: {  	s21 =	sor.u32 s17, s17  }
0x67: {  	s22 =	simm.s32 $0x7;
	s16 =	sor.u32 $0x380, s21;
	[tilespmem:v2+s10+$0x0] =	vst.idx.msk vm1, v1  }
0x68: {  	v2 =	vor.u32 s22, v0;
	v1 =	vld [tilespmem:s16+$0x0];
	_ =	sdelay $0x4  }
0x69: {  	s23 =	simm.s32 $0x8;
	[tilespmem:v2+s10+$0x0] =	vst.idx.msk vm1, v1  }
0x6a: {  	v2 =	vor.u32 s23, v0;
	v1 =	vld [tilespmem:s19+$0x1000];
	_ =	sdelay $0x4  }
0x6b: {  	s24 =	simm.s32 $0x9;
	[tilespmem:v2+s10+$0x0] =	vst.idx.msk vm1, v1  }
0x6c: {  	v2 =	vor.u32 s24, v0;
	v1 =	vld [tilespmem:s19+$0x1080];
	_ =	sdelay $0x4  }
0x6d: {  	s25 =	simm.s32 $0xA;
	[tilespmem:v2+s10+$0x0] =	vst.idx.msk vm1, v1  }
0x6e: {  	v2 =	vor.u32 s25, v0;
	v1 =	vld [tilespmem:s19+$0x1100];
	_ =	sdelay $0x4  }
0x6f: {  	s26 =	simm.s32 $0xB;
	[tilespmem:v2+s10+$0x0] =	vst.idx.msk vm1, v1  }
0x70: {  	v2 =	vor.u32 s26, v0;
	v1 =	vld [tilespmem:s19+$0x1180];
	_ =	sdelay $0x4  }
0x71: {  	s28 =	simm.s32 $0xC;
	[tilespmem:v2+s10+$0x0] =	vst.idx.msk vm1, v1  }
0x72: {  	v2 =	vor.u32 s28, v0;
	v1 =	vld [tilespmem:s19+$0x1200];
	_ =	sdelay $0x4  }
0x73: {  	s29 =	simm.s32 $0xD;
	[tilespmem:v2+s10+$0x0] =	vst.idx.msk vm1, v1  }
0x74: {  	v2 =	vor.u32 s29, v0;
	v1 =	vld [tilespmem:s19+$0x1280];
	_ =	sdelay $0x4  }
0x75: {  	s30 =	simm.s32 $0xE;
	[tilespmem:v2+s10+$0x0] =	vst.idx.msk vm1, v1  }
0x76: {  	v2 =	vor.u32 s30, v0;
	v1 =	vld [tilespmem:s19+$0x1300];
	_ =	sdelay $0x4  }
0x77: {  	s31 =	simm.s32 $0xF;
	[tilespmem:v2+s10+$0x0] =	vst.idx.msk vm1, v1  }
0x78: {  	v2 =	vor.u32 s31, v0;
	v1 =	vld [tilespmem:s19+$0x1380];
	_ =	sdelay $0x1  }
0x79: {  	s17 =	simm.s32 $0x80;
	s21 =	sadd.s32 $0x10, s15;
	s18 =	simm.s32 $0x10  }
0x7a: {  	s20 =	sand.u32 $0x70, s18;
	s16 =	simm.s32 $0x10F;
	s19 =	simm.s32 $0x20F  }
.LBB2_5:
0x7b: {  	p1 =	sne.s32 s19, $0x1F0F;
	p2 =	slt.u32 s21, $0x186A0;
	s21 =	sand.u32 $0xC00, s17  }
0x7c: {  	[tilespmem:v2+s10+$0x0] =	vst.idx.msk vm1, v1;
	vm1 =	vmmov vm0  }
0x7d: {  	s22 =	sadd.s32 $0xFFFFFFF1, s16;
	s20 =	sor.u32 s20, s21;
	vm1 =	vmneg @p2 vm1  }
0x7e: {  	v2 =	vor.u32 s22, v0;
	v1 =	vld [tilespmem:s20+$0x0];
	_ =	sdelay $0x4  }
0x7f: {  	s21 =	sadd.s32 $0xFFFFFFF2, s16;
	[tilespmem:v2+s10+$0x0] =	vst.idx.msk vm1, v1  }
0x80: {  	v2 =	vor.u32 s21, v0;
	v1 =	vld [tilespmem:s20+$0x80];
	_ =	sdelay $0x4  }
0x81: {  	s21 =	sadd.s32 $0xFFFFFFF3, s16;
	[tilespmem:v2+s10+$0x0] =	vst.idx.msk vm1, v1  }
0x82: {  	v2 =	vor.u32 s21, v0;
	v1 =	vld [tilespmem:s20+$0x100];
	_ =	sdelay $0x4  }
0x83: {  	s21 =	sadd.s32 $0xFFFFFFF4, s16;
	[tilespmem:v2+s10+$0x0] =	vst.idx.msk vm1, v1  }
0x84: {  	v2 =	vor.u32 s21, v0;
	v1 =	vld [tilespmem:s20+$0x180];
	_ =	sdelay $0x4  }
0x85: {  	s21 =	sadd.s32 $0xFFFFFFF5, s16;
	[tilespmem:v2+s10+$0x0] =	vst.idx.msk vm1, v1  }
0x86: {  	v2 =	vor.u32 s21, v0;
	v1 =	vld [tilespmem:s20+$0x200];
	_ =	sdelay $0x4  }
0x87: {  	s21 =	sadd.s32 $0xFFFFFFF6, s16;
	[tilespmem:v2+s10+$0x0] =	vst.idx.msk vm1, v1  }
0x88: {  	v2 =	vor.u32 s21, v0;
	v1 =	vld [tilespmem:s20+$0x280];
	_ =	sdelay $0x4  }
0x89: {  	s21 =	sadd.s32 $0xFFFFFFF7, s16;
	[tilespmem:v2+s10+$0x0] =	vst.idx.msk vm1, v1  }
0x8a: {  	v2 =	vor.u32 s21, v0;
	v1 =	vld [tilespmem:s20+$0x300];
	_ =	sdelay $0x3  }
0x8b: {  	s21 =	sor.u32 s17, s18  }
0x8c: {  	s22 =	sadd.s32 $0xFFFFFFF8, s16;
	s21 =	sor.u32 $0x380, s21;
	[tilespmem:v2+s10+$0x0] =	vst.idx.msk vm1, v1  }
0x8d: {  	v2 =	vor.u32 s22, v0;
	v1 =	vld [tilespmem:s21+$0x0];
	_ =	sdelay $0x4  }
0x8e: {  	s21 =	sadd.s32 $0xFFFFFFF9, s16;
	[tilespmem:v2+s10+$0x0] =	vst.idx.msk vm1, v1  }
0x8f: {  	v2 =	vor.u32 s21, v0;
	v1 =	vld [tilespmem:s20+$0x1000];
	_ =	sdelay $0x4  }
0x90: {  	s21 =	sadd.s32 $0xFFFFFFFA, s16;
	[tilespmem:v2+s10+$0x0] =	vst.idx.msk vm1, v1  }
0x91: {  	v2 =	vor.u32 s21, v0;
	v1 =	vld [tilespmem:s20+$0x1080];
	_ =	sdelay $0x4  }
0x92: {  	s21 =	sadd.s32 $0xFFFFFFFB, s16;
	[tilespmem:v2+s10+$0x0] =	vst.idx.msk vm1, v1  }
0x93: {  	v2 =	vor.u32 s21, v0;
	v1 =	vld [tilespmem:s20+$0x1100];
	_ =	sdelay $0x4  }
0x94: {  	s21 =	sadd.s32 $0xFFFFFFFC, s16;
	[tilespmem:v2+s10+$0x0] =	vst.idx.msk vm1, v1  }
0x95: {  	v2 =	vor.u32 s21, v0;
	v1 =	vld [tilespmem:s20+$0x1180];
	_ =	sdelay $0x4  }
0x96: {  	s21 =	sadd.s32 $0xFFFFFFFD, s16;
	[tilespmem:v2+s10+$0x0] =	vst.idx.msk vm1, v1  }
0x97: {  	v2 =	vor.u32 s21, v0;
	v1 =	vld [tilespmem:s20+$0x1200];
	_ =	sdelay $0x4  }
0x98: {  	s21 =	sadd.s32 $0xFFFFFFFE, s16;
	[tilespmem:v2+s10+$0x0] =	vst.idx.msk vm1, v1  }
0x99: {  	v2 =	vor.u32 s21, v0;
	v1 =	vld [tilespmem:s20+$0x1280];
	_ =	sdelay $0x4  }
0x9a: {  	s21 =	sadd.s32 $0xFFFFFFFF, s16;
	[tilespmem:v2+s10+$0x0] =	vst.idx.msk vm1, v1  }
0x9b: {  	v2 =	vor.u32 s21, v0;
	v1 =	vld [tilespmem:s20+$0x1300];
	_ =	sdelay $0x4  }
.Ltmp7:
0x9c: {  	[tilespmem:v2+s10+$0x0] =	vst.idx.msk vm1, v1;
	(pc) =	sbr.rel @p1 .LBB2_5-.Ltmp7, $3  }
0x9d: {  	v2 =	vor.u32 s16, v0;
	s16 =	smov.u32 s19;
	v1 =	vld [tilespmem:s20+$0x1380];
	_ =	sdelay $0x1  }
0x9e: {  	s17 =	sadd.s32 $0x80, s17;
	s18 =	sadd.s32 $0x10, s18  }
0x9f: {  	s21 =	sadd.s32 s18, s15;
	s19 =	sadd.s32 $0x100, s19;
	s20 =	sand.u32 $0x70, s18  }
.Ltmp8:
0xa0: {  	_ = 	snop;
	(pc) =	sbr.rel .LBB2_6-.Ltmp8, $1  }
0xa1: {  	_ =	sdelay $0x3  }
.LBB2_10:
0xa2: {  	_ =	sfence.sel $0x180000  }
0xa3: {  	[bflag:$0x0] =	sbarrier.arrive $0xFFFF  }
0xa4: {  	p0 =	sne.s32 s4, $0x0;
	_ =	strace $0x90000047  }
0xa5: {  	s0 =	sadd.s32 @!p0 $0x100000, s0;
	[bflag:$0x2] =	sbarrier.arrive $0xFFFF  }
0xa6: {  	[sflag:s0] =	ssyncadd.tile.s32 @!p0 $0x1;
	_ =	shalt  }
.Lfunc_end2:
_tile_overlayer_lowered:
.L_overlay_start_2:
0xa7: {  	(tag) =	ssettag $0x2  }
0xa8: {  	s0 =	rddreg [dreg:$0x0];
	s2 =	stileid.u32  }
0xa9: {  	s1 =	rddreg [dreg:$0x1];
	p0 =	sne.s32 s2, $0x0  }
0xaa: {  	s3 =	rddreg [dreg:$0x2];
	[bflag:$0x3] =	sbarrier.arrive $0xFFFF;
	s2 =	simm.s32 @!p0 $0x1C01  }
0xab: {  	[timem:s3], [sflag:s2] =	dma.local @!p0 [hbm:s0], s1  }
0xac: {  	s0 =	simm.s32 @!p0 $0x1  }
0xad: {  	_ =	swait.ge @!p0 [sflag:s0], s1  }
0xae: {  	s1 =	ssub.s32 @!p0 $0x0, s1;
	[sflag:s0] =	ssyncset.done @!p0 $0x0  }
0xaf: {  	[sflag:s0] =	ssyncadd.s32 @!p0 s1  }
0xb0: {  	[bflag:$0x3] =	sbarrier.arrive $0xFFFF  }
0xb1: {  	_ =	shalt  }

// kernel: kernel.8.cloned.1.call-start
scs
__scs_entry_jumppad:
0x0: {  	(pc) =	sbr.rel $0x88, $3  }
0x1: {  	(tag) =	ssettag $0x0;
	lr =	simm.s32 $0x1  }
0x2: {  	[smem:$0x3F97] =	sst lr;
	_ =	strace $0xD0000000  }
0x3: {  	_ = 	snop  }
0x4: {  	_ = 	snop  }
0x5: {  	_ = 	snop  }
0x6: {  	_ = 	snop  }
0x7: {  	_ = 	snop  }
__scs_overlays_trampoline_lowered:
0x8: {  	[smem:$0x3FA6] =	sst s0  }
0x9: {  	[smem:$0x3FA7] =	sst s1  }
0xa: {  	[smem:$0x3FA8] =	sst s2  }
0xb: {  	[smem:$0x3FA9] =	sst s3  }
0xc: {  	[smem:$0x3FAA] =	sst s4  }
0xd: {  	[smem:$0x3FAB] =	sst s5  }
0xe: {  	[smem:$0x3FAC] =	sst s6  }
0xf: {  	[smem:$0x3FAD] =	sst s7  }
0x10: {  	[smem:$0x3FAE] =	sst s8  }
0x11: {  	[smem:$0x3FAF] =	sst s9;
	s0 =	simm.s32 @!p0 $0x0  }
0x12: {  	s1 =	sld [smem:$0x3F95];
	s0 =	simm.s32 @p0 $0x1  }
0x13: {  	[smem:$0x3FB0] =	sst s0;
	s0 =	simm.s32 @!p1 $0x0  }
0x14: {  	s2 =	sld [smem:$0x3F94];
	s0 =	simm.s32 @p1 $0x1  }
0x15: {  	[smem:$0x3FB1] =	sst s0;
	s0 =	simm.s32 @!p2 $0x0  }
0x16: {  	s3 =	sld [smem:$0x3FDB];
	s0 =	simm.s32 @p2 $0x1  }
0x17: {  	s4 =	simm.s32 $0x1BF5;
	[smem:$0x3FB3] =	sst s0  }
0x18: {  	s0 =	sld [smem:$0x3F96];
	_ =	swait.ge [sflag:s4], $0x0  }
0x19: {  	s7 =	sld [smem:$0x3F97]  }
0x1a: {  	s8 =	sadd.s32 $0xFFFFE003, lr  }
0x1b: {  	s9 =	sadd.s32 $0xFFFFFEF7, lr;
	s5 =	simm.s32 $0xFFFFFFFF;
	p2 =	slt.u32 s8, $0xFFFFF086  }
0x1c: {  	p1 =	slt.u32 s9, $0xF7A;
	s5 =	simm.s32 @!p2 $0x0  }
0x1d: {  	s5 =	simm.s32 @p1 $0x1;
	p0 =	seq.s32 s7, s2  }
0x1e: {  	s7 =	smul.u32 @!p0 $0xF7A, s2;
	p2 =	seq.s32 @!p0 s5, $0x0  }
0x1f: {  	s9 =	smul.u32 $0xF7A, s1;
	s8 =	simm.s32 @!p0 $0x1BF5;
	p2 =	por !p2, p0  }
0x20: {  	[sflag:s8] =	ssyncset.s32 @!p0 $0xFFFFF086;
	s6 =	sadd.s32 @!p0 s3, s7;
	s7 =	simm.s32 @!p0 $0x108  }
0x21: {  	s3 =	sadd.s32 s3, s9;
	s6 =	sadd.s32 @!p0 $0x88, s6;
	s7 =	simm.s32 @p2 $0x1082  }
0x22: {  	[simem:s7], [sflag:s8] =	dma.local @!p0 [hbm:s6], $0xF7A  }
0x23: {  	s9 =	sor.u32 $0xD0000000, s2;
	s6 =	simm.s32 $0x108;
	_ =	swait.ge @!p0 [sflag:s8], $0x0  }
0x24: {  	s3 =	sadd.s32 $0x88, s3;
	s6 =	simm.s32 @!p1 $0x1082;
	[sflag:s4] =	ssyncset.s32 $0xFFFFF086  }
0x25: {  	[simem:s6], [sflag:s4] =	dma.local [hbm:s3], $0xF7A  }
0x26: {  	[smem:$0x3F97] =	sst s1;
	(tag) =	ssettag s2;
	_ =	strace s9  }
0x27: {  	s1 =	sld [smem:$0x3FA7]  }
0x28: {  	s2 =	sld [smem:$0x3FA8]  }
0x29: {  	s4 =	sld [smem:$0x3FAA]  }
0x2a: {  	p0 =	seq.s32 s5, $0x0;
	s5 =	sld [smem:$0x3FAB]  }
0x2b: {  	s6 =	sld [smem:$0x3FAC]  }
0x2c: {  	s7 =	sld [smem:$0x3FAD]  }
0x2d: {  	s3 =	simm.s32 $0x108;
	s8 =	sld [smem:$0x3FAE]  }
0x2e: {  	s3 =	simm.s32 @!p0 $0x1082;
	s9 =	sld [smem:$0x3FAF]  }
0x2f: {  	lr =	sadd.s32 s0, s3;
	s0 =	sld [smem:$0x3FA6]  }
0x30: {  	s3 =	sld [smem:$0x3FA9]  }
0x31: {  	[smem:$0x3FB2] =	sst s10  }
0x32: {  	s10 =	sld [smem:$0x3FB0];
	_ =	sdelay $0x3  }
0x33: {  	p0 =	seq.s32 s10, $0x1;
	s10 =	sld [smem:$0x3FB2];
	_ =	sdelay $0x3  }
0x34: {  	[smem:$0x3FB2] =	sst s10  }
0x35: {  	s10 =	sld [smem:$0x3FB1];
	_ =	sdelay $0x3  }
0x36: {  	p1 =	seq.s32 s10, $0x1;
	s10 =	sld [smem:$0x3FB2];
	_ =	sdelay $0x3  }
0x37: {  	[smem:$0x3FB2] =	sst s10  }
0x38: {  	s10 =	sld [smem:$0x3FB3]  }
0x39: {  	_ = 	snop;
	(pc) =	sbr.ind lr, $3  }
0x3a: {  	_ = 	snop  }
0x3b: {  	_ = 	snop  }
0x3c: {  	p2 =	seq.s32 s10, $0x1;
	s10 =	sld [smem:$0x3FB2]  }
0x3d: {  	_ =	shalt  }
0x3e: {  	_ =	shalt  }
0x3f: {  	_ =	shalt  }
0x40: {  	_ =	shalt  }
0x41: {  	_ =	shalt  }
0x42: {  	_ =	shalt  }
0x43: {  	_ =	shalt  }
0x44: {  	_ =	shalt  }
0x45: {  	_ =	shalt  }
0x46: {  	_ =	shalt  }
0x47: {  	_ =	shalt  }
0x48: {  	_ =	shalt  }
0x49: {  	_ =	shalt  }
0x4a: {  	_ =	shalt  }
0x4b: {  	_ =	shalt  }
0x4c: {  	_ =	shalt  }
0x4d: {  	_ =	shalt  }
0x4e: {  	_ =	shalt  }
0x4f: {  	_ =	shalt  }
0x50: {  	_ =	shalt  }
0x51: {  	_ =	shalt  }
0x52: {  	_ =	shalt  }
0x53: {  	_ =	shalt  }
0x54: {  	_ =	shalt  }
0x55: {  	_ =	shalt  }
0x56: {  	_ =	shalt  }
0x57: {  	_ =	shalt  }
0x58: {  	_ =	shalt  }
0x59: {  	_ =	shalt  }
0x5a: {  	_ =	shalt  }
0x5b: {  	_ =	shalt  }
0x5c: {  	_ =	shalt  }
0x5d: {  	_ =	shalt  }
0x5e: {  	_ =	shalt  }
0x5f: {  	_ =	shalt  }
0x60: {  	_ =	shalt  }
0x61: {  	_ =	shalt  }
0x62: {  	_ =	shalt  }
0x63: {  	_ =	shalt  }
0x64: {  	_ =	shalt  }
0x65: {  	_ =	shalt  }
0x66: {  	_ =	shalt  }
0x67: {  	_ =	shalt  }
0x68: {  	_ =	shalt  }
0x69: {  	_ =	shalt  }
0x6a: {  	_ =	shalt  }
0x6b: {  	_ =	shalt  }
0x6c: {  	_ =	shalt  }
0x6d: {  	_ =	shalt  }
0x6e: {  	_ =	shalt  }
0x6f: {  	_ =	shalt  }
0x70: {  	_ =	shalt  }
0x71: {  	_ =	shalt  }
0x72: {  	_ =	shalt  }
0x73: {  	_ =	shalt  }
0x74: {  	_ =	shalt  }
0x75: {  	_ =	shalt  }
0x76: {  	_ =	shalt  }
0x77: {  	_ =	shalt  }
0x78: {  	_ =	shalt  }
0x79: {  	_ =	shalt  }
0x7a: {  	_ =	shalt  }
0x7b: {  	_ =	shalt  }
0x7c: {  	_ =	shalt  }
0x7d: {  	_ =	shalt  }
0x7e: {  	_ =	shalt  }
0x7f: {  	_ =	shalt  }
0x80: {  	_ =	shalt  }
0x81: {  	_ =	shalt  }
0x82: {  	_ =	shalt  }
0x83: {  	_ =	shalt  }
0x84: {  	_ =	shalt  }
0x85: {  	_ =	shalt  }
0x86: {  	_ =	shalt  }
0x87: {  	_ =	shalt  }
.Lfunc_end0:
.L_simem_size_0:
called_computation.1_lowered:
.L_overlay_start_0:
0x88: {  	s2 =	sld [smem:$0x3FD9]  }
0x89: {  	s3 =	sld [smem:$0x3FFE];
	_ =	sdelay $0x1  }
0x8a: {  	s1 =	srdreg.scid  }
0x8b: {  	s0 =	sand.u32 $0x1, s1  }
0x8c: {  	s16 =	sshll.u32 s0, $0xA;
	s2 =	sadd.s32 s3, s2  }
0x8d: {  	s2 =	sadd.s32 s2, s16  }
0x8e: {  	[smem:$0x3FBE] =	sst s2  }
0x8f: {  	_ = 	snop  }
0x90: {  	(tm) =	ssettm $0x1  }
0x91: {  	s17 =	sld [smem:$0x3FFB];
	_ =	sdelay $0x3  }
0x92: {  	_ =	strace s17  }
0x93: {  	s2 =	sld [smem:$0x3FFC];
	_ =	sdelay $0x3  }
0x94: {  	_ =	strace s2  }
0x95: {  	s2 =	sld [smem:$0x3FFD];
	_ =	sdelay $0x3  }
0x96: {  	_ =	strace s2  }
0x97: {  	_ =	strace $0x8FFFFFFF  }
0x98: {  	s18 =	sld [smem:$0x3FDB];
	_ =	sdelay $0x1  }
0x99: {  	s19 =	simm.s32 $_scs_section_size  }
0x9a: {  	s4 =	simm.s32 $_size__tile_overlayer_lowered;
	s5 =	simm.s32 $_tile_overlayer_lowered  }
0x9b: {  	s22 =	simm.s32 $0x1BFF;
	s21 =	sshll.u32 s5, $0x1;
	s2 =	sadd.s32 s19, s18  }
0x9c: {  	s6 =	simm.s32 $0x0;
	s20 =	sshll.u32 s4, $0x1;
	s4 =	sadd.s32 s21, s2  }
0x9d: {  	[timem:s6], [sflag:s22] =	dma.local [hbm:s4], s20  }
0x9e: {  	_ =	swait.ge [sflag:s22], s20  }
0x9f: {  	s3 =	ssub.s32 $0x0, s20;
	[sflag:s22] =	ssyncset.done $0x0  }
0xa0: {  	[sflag:s22] =	ssyncadd.s32 s3;
	_ =	sdelay $0x1  }
0xa1: {  	s23 =	simm.s32 $0x1B8B  }
0xa2: {  	_ =	swait.ge [sflag:s23], $0x1  }
0xa3: {  	[sflag:s23] =	ssyncset.done $0x0  }
0xa4: {  	s25 =	simm.s32 $0x1B8E;
	s24 =	sld [smem:$0x3FFE];
	[sflag:s23] =	ssyncadd.s32 $0xFFFFFFFF  }
0xa5: {  	s26 =	simm.s32 $execute0_lowered;
	[smem:$0x3FD2] =	sst s25  }
0xa6: {  	s4 =	sshll.u32 s26, $0x1;
	_ =	strace $0x80000049;
	[dreg:$0x1] =	wrdreg $0xFFFFFFFF  }
0xa7: {  	s28 =	simm.s32 $_size_execute0_lowered;
	s2 =	sadd.s32 s2, s4;
	[dreg:$0x0] =	wrdreg $0x0  }
0xa8: {  	s4 =	sshll.u32 s28, $0x1;
	[dreg:$0x2] =	wrdreg s2  }
0xa9: {  	[dreg:$0x3] =	wrdreg s4  }
0xaa: {  	[dreg:$0x4] =	wrdreg $0xC0  }
0xab: {  	_ =	task [dreg:s6], $0x5FFFF  }
0xac: {  	[dreg:$0x1] =	wrdreg $0xFFFFFFFF  }
0xad: {  	[dreg:$0x0] =	wrdreg $0x60  }
0xae: {  	[dreg:$0x2] =	wrdreg s24  }
0xaf: {  	[dreg:$0x3] =	wrdreg $0x9  }
0xb0: {  	_ =	task.clear_ibuf [dreg:s6], $0x4FFFF;
	_ =	strace $0x90000049  }
0xb1: {  	s29 =	simm.s32 $0x9;
	_ =	strace $0x8000004B  }
0xb2: {  	_ =	swait.ge [sflag:s29], $0x1  }
0xb3: {  	[sflag:s29] =	ssyncadd.s32 $0xFFFFFFFF  }
0xb4: {  	_ =	strace $0x9000004B  }
0xb5: {  	_ =	sfence  }
0xb6: {  	s30 =	sld [smem:$0x0];
	_ =	sdelay $0x2  }
0xb7: {  	s31 =	sshll.u32 s1, $0xD;
	s1 =	sshrl.u32 s1, $0x2  }
0xb8: {  	s3 =	sand.u32 $0x4000, s31;
	s1 =	sadd.s32 s1, s30  }
0xb9: {  	s0 =	sor.u32 s3, s0;
	s1 =	sshll.u32 s1, $0x11  }
0xba: {  	s0 =	sor.u32 s1, s0  }
0xbb: {  	s0 =	sadd.s32 $0x8F2B, s0  }
0xbc: {  	[sflag:s0] =	ssyncadd.remote.s32 $0x1  }
0xbd: {  	_ =	sfence.sel $0xFFFF  }
0xbe: {  	[dreg:$0x0] =	wrdreg $0xFFFFFFFF;
	(pc) =	sbr.abs _section_cstart, $3  }
0xbf: {  	[dreg:$0x1] =	wrdreg $0xFFFFFFFF  }
0xc0: {  	_ =	task.clear_ibuf [dreg:s6], $0x2FFFF;
	_ =	strace $0x9FFFFFFF  }
0xc1: {  	(tm) =	ssettm $0x7FFFFFFF  }
tec
execute0_lowered:
.L_overlay_start_1:
0x0: {  	(tag) =	ssettag $0x1  }
0x1: {  	s4 =	rddreg [dreg:$0x0]  }
0x2: {  	s0 =	rddreg [dreg:$0x1];
	s3 =	srdreg.scid  }
0x3: {  	s1 =	stileid.u32;
	s2 =	simm.s32 $0x0;
	s10 =	simm.s32 $0x7000  }
0x4: {  	s11 =	simm.s32 $0x7800;
	s12 =	simm.s32 $0x8000;
	s13 =	simm.s32 $0x8800  }
0x5: {  	s14 =	simm.s32 $0x9000;
	s15 =	simm.s32 $0x9800;
	s16 =	simm.s32 $0xA000  }
0x6: {  	s17 =	simm.s32 $0x1;
	s18 =	simm.s32 $0x0;
	s3 =	sand.u32 $0x1, s3  }
0x7: {  	s5 =	smul.u32 $0x68000, s1;
	[smem:$0x7FF] =	sst s2;
	s6 =	sshll.u32 s1, $0x1  }
0x8: {  	s7 =	smul.u32 $0x34000, s3;
	s6 =	sor.u32 s3, s6;
	s30 =	ssub.s32 $0x2, s3  }
0x9: {  	_ =	strace $0x8000004A;
	s6 =	smul.u32 $0x680, s6;
	s8 =	sshrl.u32 s30, $0x1  }
0xa: {  	s3 =	sadd.s32 $0x1800, s4;
	s5 =	sadd.s32 s7, s5;
	s31 =	ssub.s32 s30, s8  }
0xb: {  	s7 =	simm.s32 $0x2;
	s5 =	sshrl.u32 s5, $0x3;
	s6 =	sadd.s32 s6, s4  }
0xc: {  	s8 =	simm.s32 $0x80;
	s9 =	sadd.s32 s5, s4;
	s4 =	sadd.s32 $0x4F7800, s6  }
0xd: {  	v0 =	vlaneseq.u32;
	s5 =	smax.u32 s31, $0x1;
	s6 =	sadd.s32 $0x504800, s9;
	s9 =	simm.s32 $0x6800  }
.LBB2_1:
0xe: {  	v1 =	vor.u32 s2, v0  }
0xf: {  	v2 =	vmulhi.u32 $0x4EC4EC4F, v1  }
0x10: {  	[tilespmem:s2], [sflag:$0x2] =	stream.linear.gather [hbm4b:s4+s2], $0x3400, $0x38;
	[tilespmem:$0xA800] =	vst v63  }
0x11: {  	_ =	swait.ge [sflag:s7], $0x3400;
	v2 =	vshrl.u32 v2, $0x3  }
0x12: {  	[sflag:s7] =	ssyncset.done $0x0;
	v2 =	vmul.u32 $0x1A, v2  }
0x13: {  	s21 =	simm.s32 $0x0;
	[sflag:s7] =	ssyncadd.s32 $0xFFFFCC00  }
0x14: {  	v3 =	vsub.s32 v1, v2;
	v2 =	vld [tilespmem:s21+$0x0];
	_ =	sdelay $0x1  }
0x15: {  	s19 =	simm.s32 $0x40;
	s20 =	simm.s32 $0x10  }
0x16: {  	s23 =	sand.u32 $0xFE00, s2;
	s22 =	simm.s32 $0x0;
	v1 =	vor.u32 s20, v0;
	s21 =	simm.s32 $0x80;
	v3 =	vmul.u32 $0x186C0, v3  }
.LBB2_2:
0x17: {  	p0 =	sne.s32 s21, $0xCFC0;
	v4 =	vmulhi.u32 $0x4EC4EC4F, v1;
	s22 =	sand.u32 $0x70, s22;
	s23 =	sshrl.u32 s23, $0x2  }
0x18: {  	v2 =	vadd.s32 v3, v2;
	s23 =	sor.u32 s22, s23;
	s22 =	smov.u32 s20  }
.Ltmp0:
0x19: {  	s24 =	sshra.s32 s19, $0x2;
	v3 =	vshrl.u32 v4, $0x3;
	[tilespmem:s23+$0x3400] =	vst v2;
	(pc) =	sbr.rel @p0 .LBB2_2-.Ltmp0, $3  }
0x1a: {  	v3 =	vmul.u32 $0x1A, v3;
	v2 =	vld [tilespmem:s24+$0x0];
	_ =	sdelay $0x1  }
0x1b: {  	s20 =	sadd.s32 $0x10, s20;
	v3 =	vsub.s32 v1, v3  }
0x1c: {  	s23 =	sand.u32 $0xFE00, s19;
	s19 =	smov.u32 s21;
	s21 =	sadd.s32 $0x40, s21;
	v1 =	vor.u32 s20, v0;
	v3 =	vmul.u32 $0x186C0, v3  }
0x1d: {  	v4 =	vmulhi.u32 $0x4EC4EC4F, v1;
	s21 =	sand.u32 $0x70, s22;
	s30 =	sshrl.u32 s23, $0x2  }
0x1e: {  	v2 =	vadd.s32 v3, v2;
	s21 =	sor.u32 s21, s30  }
0x1f: {  	s31 =	sshra.s32 s19, $0x2;
	v3 =	vshrl.u32 v4, $0x3;
	[tilespmem:s21+$0x3400] =	vst v2  }
0x20: {  	v2 =	vmul.u32 $0x1A, v3;
	v3 =	vld [tilespmem:s31+$0x0];
	_ =	sdelay $0x1  }
0x21: {  	v1 =	vsub.s32 v1, v2  }
0x22: {  	s22 =	sand.u32 $0xFE00, s19;
	v1 =	vmul.u32 $0x186C0, v1  }
0x23: {  	s20 =	sand.u32 $0x70, s20;
	s19 =	sshrl.u32 s22, $0x2  }
0x24: {  	s19 =	sor.u32 s20, s19;
	v1 =	vadd.s32 v1, v3  }
0x25: {  	s23 =	simm.s32 $0x3400;
	[tilespmem:s19+$0x3400] =	vst v1  }
0x26: {  	[tilespmem:s9], [sflag:$0x1] =	stream.indirect.gather [hbm4b:s3+s8], $0x10, s23, s8, $0xb8;
	[tilespmem:$0xA800] =	vst v63  }
0x27: {  	s24 =	simm.s32 $0x3480  }
0x28: {  	[tilespmem:s10], [sflag:$0x1] =	stream.indirect.gather [hbm4b:s3+s8], $0x10, s24, s8, $0xb8;
	[tilespmem:$0xA800] =	vst v63  }
0x29: {  	s25 =	simm.s32 $0x3500  }
0x2a: {  	[tilespmem:s11], [sflag:$0x1] =	stream.indirect.gather [hbm4b:s3+s8], $0x10, s25, s8, $0xb8;
	[tilespmem:$0xA800] =	vst v63  }
0x2b: {  	s26 =	simm.s32 $0x3580  }
0x2c: {  	[tilespmem:s12], [sflag:$0x1] =	stream.indirect.gather [hbm4b:s3+s8], $0x10, s26, s8, $0xb8;
	[tilespmem:$0xA800] =	vst v63  }
0x2d: {  	s28 =	simm.s32 $0x3600  }
0x2e: {  	[tilespmem:s13], [sflag:$0x1] =	stream.indirect.gather [hbm4b:s3+s8], $0x10, s28, s8, $0xb8;
	[tilespmem:$0xA800] =	vst v63  }
0x2f: {  	s29 =	simm.s32 $0x3680  }
0x30: {  	[tilespmem:s14], [sflag:$0x1] =	stream.indirect.gather [hbm4b:s3+s8], $0x10, s29, s8, $0xb8;
	[tilespmem:$0xA800] =	vst v63  }
0x31: {  	s30 =	simm.s32 $0x3700  }
0x32: {  	[tilespmem:s15], [sflag:$0x1] =	stream.indirect.gather [hbm4b:s3+s8], $0x10, s30, s8, $0xb8;
	[tilespmem:$0xA800] =	vst v63  }
0x33: {  	s31 =	simm.s32 $0x3780  }
0x34: {  	[tilespmem:s16], [sflag:$0x1] =	stream.indirect.gather [hbm4b:s3+s8], $0x10, s31, s8, $0xb8;
	[tilespmem:$0xA800] =	vst v63  }
0x35: {  	_ =	swait.ge [sflag:s17], $0x800  }
0x36: {  	[sflag:s17] =	ssyncset.done $0x0  }
0x37: {  	[sflag:s17] =	ssyncadd.s32 $0xFFFFF800  }
0x38: {  	_ =	swait.ge [sflag:s17], $0x800  }
0x39: {  	[sflag:s17] =	ssyncset.done $0x0  }
0x3a: {  	[sflag:s17] =	ssyncadd.s32 $0xFFFFF800  }
0x3b: {  	_ =	swait.ge [sflag:s17], $0x800  }
0x3c: {  	[sflag:s17] =	ssyncset.done $0x0  }
0x3d: {  	[sflag:s17] =	ssyncadd.s32 $0xFFFFF800  }
0x3e: {  	_ =	swait.ge [sflag:s17], $0x800  }
0x3f: {  	[sflag:s17] =	ssyncset.done $0x0  }
0x40: {  	[sflag:s17] =	ssyncadd.s32 $0xFFFFF800  }
0x41: {  	_ =	swait.ge [sflag:s17], $0x800  }
0x42: {  	[sflag:s17] =	ssyncset.done $0x0  }
0x43: {  	[sflag:s17] =	ssyncadd.s32 $0xFFFFF800  }
0x44: {  	_ =	swait.ge [sflag:s17], $0x800  }
0x45: {  	[sflag:s17] =	ssyncset.done $0x0  }
0x46: {  	[sflag:s17] =	ssyncadd.s32 $0xFFFFF800  }
0x47: {  	_ =	swait.ge [sflag:s17], $0x800  }
0x48: {  	[sflag:s17] =	ssyncset.done $0x0  }
0x49: {  	[sflag:s17] =	ssyncadd.s32 $0xFFFFF800  }
0x4a: {  	_ =	swait.ge [sflag:s17], $0x800  }
0x4b: {  	[sflag:s17] =	ssyncset.done $0x0  }
0x4c: {  	[sflag:s17] =	ssyncadd.s32 $0xFFFFF800  }
0x4d: {  	[hbm4b:s6+s2] =	stream.linear.scatter [tilespmem:s9], [sflag:$0x2], $0x4000, $0x38;
	[tilespmem:$0xA800] =	vst v63  }
0x4e: {  	s22 =	simm.s32 $0x400;
	_ =	swait.ge [sflag:s7], $0x4000  }
0x4f: {  	s19 =	sadd.s32 $0x800, s6;
	s23 =	simm.s32 $0x2000;
	[sflag:s7] =	ssyncset.done $0x0  }
.LBB2_4:
0x50: {  	s24 =	sadd.s32 $0x3400, s22  }
0x51: {  	[sflag:s7] =	ssyncadd.s32 $0xFFFFC000;
	s21 =	smov.u32 s23;
	s20 =	sadd.s32 $0x1000, s23  }
0x52: {  	[tilespmem:s9], [sflag:$0x1] =	stream.indirect.gather [hbm4b:s3+s8], $0x10, s24, s8, $0xb8;
	[tilespmem:$0xA800] =	vst v63  }
0x53: {  	p0 =	sne.s32 s23, $0xC000;
	s23 =	sadd.s32 $0x3480, s22  }
0x54: {  	[tilespmem:s10], [sflag:$0x1] =	stream.indirect.gather [hbm4b:s3+s8], $0x10, s23, s8, $0xb8;
	[tilespmem:$0xA800] =	vst v63  }
0x55: {  	s23 =	sadd.s32 $0x3500, s22  }
0x56: {  	[tilespmem:s11], [sflag:$0x1] =	stream.indirect.gather [hbm4b:s3+s8], $0x10, s23, s8, $0xb8;
	[tilespmem:$0xA800] =	vst v63  }
0x57: {  	s23 =	sadd.s32 $0x3580, s22  }
0x58: {  	[tilespmem:s12], [sflag:$0x1] =	stream.indirect.gather [hbm4b:s3+s8], $0x10, s23, s8, $0xb8;
	[tilespmem:$0xA800] =	vst v63  }
0x59: {  	s23 =	sadd.s32 $0x3600, s22  }
0x5a: {  	[tilespmem:s13], [sflag:$0x1] =	stream.indirect.gather [hbm4b:s3+s8], $0x10, s23, s8, $0xb8;
	[tilespmem:$0xA800] =	vst v63  }
0x5b: {  	s23 =	sadd.s32 $0x3680, s22  }
0x5c: {  	[tilespmem:s14], [sflag:$0x1] =	stream.indirect.gather [hbm4b:s3+s8], $0x10, s23, s8, $0xb8;
	[tilespmem:$0xA800] =	vst v63  }
0x5d: {  	s23 =	sadd.s32 $0x3700, s22  }
0x5e: {  	[tilespmem:s15], [sflag:$0x1] =	stream.indirect.gather [hbm4b:s3+s8], $0x10, s23, s8, $0xb8;
	[tilespmem:$0xA800] =	vst v63  }
0x5f: {  	s22 =	sadd.s32 $0x3780, s22  }
0x60: {  	[tilespmem:s16], [sflag:$0x1] =	stream.indirect.gather [hbm4b:s3+s8], $0x10, s22, s8, $0xb8;
	[tilespmem:$0xA800] =	vst v63  }
0x61: {  	_ =	swait.ge [sflag:s17], $0x800  }
0x62: {  	[sflag:s17] =	ssyncset.done $0x0  }
0x63: {  	[sflag:s17] =	ssyncadd.s32 $0xFFFFF800  }
0x64: {  	_ =	swait.ge [sflag:s17], $0x800  }
0x65: {  	[sflag:s17] =	ssyncset.done $0x0  }
0x66: {  	[sflag:s17] =	ssyncadd.s32 $0xFFFFF800  }
0x67: {  	_ =	swait.ge [sflag:s17], $0x800  }
0x68: {  	[sflag:s17] =	ssyncset.done $0x0  }
0x69: {  	[sflag:s17] =	ssyncadd.s32 $0xFFFFF800  }
0x6a: {  	_ =	swait.ge [sflag:s17], $0x800  }
0x6b: {  	[sflag:s17] =	ssyncset.done $0x0  }
0x6c: {  	[sflag:s17] =	ssyncadd.s32 $0xFFFFF800  }
0x6d: {  	_ =	swait.ge [sflag:s17], $0x800  }
0x6e: {  	[sflag:s17] =	ssyncset.done $0x0  }
0x6f: {  	[sflag:s17] =	ssyncadd.s32 $0xFFFFF800  }
0x70: {  	_ =	swait.ge [sflag:s17], $0x800  }
0x71: {  	[sflag:s17] =	ssyncset.done $0x0  }
0x72: {  	[sflag:s17] =	ssyncadd.s32 $0xFFFFF800  }
0x73: {  	_ =	swait.ge [sflag:s17], $0x800  }
0x74: {  	[sflag:s17] =	ssyncset.done $0x0  }
0x75: {  	[sflag:s17] =	ssyncadd.s32 $0xFFFFF800  }
0x76: {  	_ =	swait.ge [sflag:s17], $0x800  }
.Ltmp1:
0x77: {  	[sflag:s17] =	ssyncset.done $0x0;
	(pc) =	sbr.rel @p0 .LBB2_4-.Ltmp1, $4  }
0x78: {  	[sflag:s17] =	ssyncadd.s32 $0xFFFFF800  }
0x79: {  	[hbm4b:s19+s2] =	stream.linear.scatter [tilespmem:s9], [sflag:$0x2], $0x4000, $0x38;
	[tilespmem:$0xA800] =	vst v63  }
0x7a: {  	s23 =	smov.u32 s20;
	_ =	swait.ge [sflag:s7], $0x4000  }
0x7b: {  	s22 =	sshra.s32 s21, $0x2;
	s19 =	sadd.s32 $0x800, s19;
	[sflag:s7] =	ssyncset.done $0x0  }
0x7c: {  	s20 =	sadd.s32 $0x3400, s22;
	[sflag:s7] =	ssyncadd.s32 $0xFFFFC000  }
0x7d: {  	[tilespmem:s9], [sflag:$0x1] =	stream.indirect.gather [hbm4b:s3+s8], $0x10, s20, s8, $0xb8;
	[tilespmem:$0xA800] =	vst v63  }
0x7e: {  	s24 =	sadd.s32 $0x3480, s22  }
0x7f: {  	[tilespmem:s10], [sflag:$0x1] =	stream.indirect.gather [hbm4b:s3+s8], $0x10, s24, s8, $0xb8;
	[tilespmem:$0xA800] =	vst v63  }
0x80: {  	s25 =	sadd.s32 $0x3500, s22  }
0x81: {  	[tilespmem:s11], [sflag:$0x1] =	stream.indirect.gather [hbm4b:s3+s8], $0x10, s25, s8, $0xb8;
	[tilespmem:$0xA800] =	vst v63  }
0x82: {  	s26 =	sadd.s32 $0x3580, s22  }
0x83: {  	[tilespmem:s12], [sflag:$0x1] =	stream.indirect.gather [hbm4b:s3+s8], $0x10, s26, s8, $0xb8;
	[tilespmem:$0xA800] =	vst v63  }
0x84: {  	s28 =	sadd.s32 $0x3600, s22  }
0x85: {  	[tilespmem:s13], [sflag:$0x1] =	stream.indirect.gather [hbm4b:s3+s8], $0x10, s28, s8, $0xb8;
	[tilespmem:$0xA800] =	vst v63  }
0x86: {  	s29 =	sadd.s32 $0x3680, s22  }
0x87: {  	[tilespmem:s14], [sflag:$0x1] =	stream.indirect.gather [hbm4b:s3+s8], $0x10, s29, s8, $0xb8;
	[tilespmem:$0xA800] =	vst v63  }
0x88: {  	s30 =	sadd.s32 $0x3700, s22  }
0x89: {  	[tilespmem:s15], [sflag:$0x1] =	stream.indirect.gather [hbm4b:s3+s8], $0x10, s30, s8, $0xb8;
	[tilespmem:$0xA800] =	vst v63  }
0x8a: {  	s31 =	sadd.s32 $0x3780, s22  }
0x8b: {  	[tilespmem:s16], [sflag:$0x1] =	stream.indirect.gather [hbm4b:s3+s8], $0x10, s31, s8, $0xb8;
	[tilespmem:$0xA800] =	vst v63  }
0x8c: {  	_ =	swait.ge [sflag:s17], $0x800  }
0x8d: {  	[sflag:s17] =	ssyncset.done $0x0  }
0x8e: {  	[sflag:s17] =	ssyncadd.s32 $0xFFFFF800  }
0x8f: {  	_ =	swait.ge [sflag:s17], $0x800  }
0x90: {  	[sflag:s17] =	ssyncset.done $0x0  }
0x91: {  	[sflag:s17] =	ssyncadd.s32 $0xFFFFF800  }
0x92: {  	_ =	swait.ge [sflag:s17], $0x800  }
0x93: {  	[sflag:s17] =	ssyncset.done $0x0  }
0x94: {  	[sflag:s17] =	ssyncadd.s32 $0xFFFFF800  }
0x95: {  	_ =	swait.ge [sflag:s17], $0x800  }
0x96: {  	[sflag:s17] =	ssyncset.done $0x0  }
0x97: {  	[sflag:s17] =	ssyncadd.s32 $0xFFFFF800  }
0x98: {  	_ =	swait.ge [sflag:s17], $0x800  }
0x99: {  	[sflag:s17] =	ssyncset.done $0x0  }
0x9a: {  	[sflag:s17] =	ssyncadd.s32 $0xFFFFF800  }
0x9b: {  	_ =	swait.ge [sflag:s17], $0x800  }
0x9c: {  	[sflag:s17] =	ssyncset.done $0x0  }
0x9d: {  	[sflag:s17] =	ssyncadd.s32 $0xFFFFF800  }
0x9e: {  	_ =	swait.ge [sflag:s17], $0x800  }
0x9f: {  	[sflag:s17] =	ssyncset.done $0x0  }
0xa0: {  	[sflag:s17] =	ssyncadd.s32 $0xFFFFF800  }
0xa1: {  	s18 =	sadd.s32 $0x1, s18;
	_ =	swait.ge [sflag:s17], $0x800  }
0xa2: {  	p0 =	sne.s32 s18, s5;
	[sflag:s17] =	ssyncset.done $0x0  }
.Ltmp2:
0xa3: {  	[sflag:s17] =	ssyncadd.s32 $0xFFFFF800;
	(pc) =	sbr.rel @p0 .LBB2_1-.Ltmp2, $4  }
0xa4: {  	[hbm4b:s19+s2] =	stream.linear.scatter [tilespmem:s9], [sflag:$0x2], $0x4000, $0x38;
	[tilespmem:$0xA800] =	vst v63  }
0xa5: {  	_ =	swait.ge [sflag:s7], $0x4000  }
0xa6: {  	[sflag:s7] =	ssyncset.done $0x0  }
0xa7: {  	[sflag:s7] =	ssyncadd.s32 $0xFFFFC000  }
0xa8: {  	_ =	sfence.sel $0x180000  }
0xa9: {  	[bflag:$0x0] =	sbarrier.arrive $0xFFFF  }
0xaa: {  	p0 =	sne.s32 s1, $0x0;
	_ =	strace $0x9000004A  }
0xab: {  	s0 =	sadd.s32 @!p0 $0x100000, s0;
	[bflag:$0x2] =	sbarrier.arrive $0xFFFF  }
0xac: {  	[sflag:s0] =	ssyncadd.tile.s32 @!p0 $0x1;
	_ =	shalt  }
.Lfunc_end2:
_tile_overlayer_lowered:
.L_overlay_start_2:
0xad: {  	(tag) =	ssettag $0x2  }
0xae: {  	s0 =	rddreg [dreg:$0x0];
	s2 =	stileid.u32  }
0xaf: {  	s1 =	rddreg [dreg:$0x1];
	p0 =	sne.s32 s2, $0x0  }
0xb0: {  	s3 =	rddreg [dreg:$0x2];
	[bflag:$0x3] =	sbarrier.arrive $0xFFFF;
	s2 =	simm.s32 @!p0 $0x1C02  }
0xb1: {  	[timem:s3], [sflag:s2] =	dma.local @!p0 [hbm:s0], s1  }
0xb2: {  	s0 =	simm.s32 @!p0 $0x2  }
0xb3: {  	_ =	swait.ge @!p0 [sflag:s0], s1  }
0xb4: {  	s1 =	ssub.s32 @!p0 $0x0, s1;
	[sflag:s0] =	ssyncset.done @!p0 $0x0  }
0xb5: {  	[sflag:s0] =	ssyncadd.s32 @!p0 s1  }
0xb6: {  	[bflag:$0x3] =	sbarrier.arrive $0xFFFF  }
0xb7: {  	_ =	shalt  }

</sc_bundles>
